<compile_context>
chip_gen: v7x
topology: tpu7x:2x2x1
jax: 0.10.2.dev20260603
libtpu: 0.0.44.dev20260713+nightly
codegen_flags: <defaults>
</compile_context>

<pallas_src>
import functools

import jax
import jax.numpy as jnp
from jax import lax
from jax.experimental import pallas as pl
from jax.experimental.pallas import tpu as pltpu
from jax.experimental.pallas import tpu_sc as plsc

B = 16384
NC, NS = 2, 16
NW = NC * NS
BPW = B // NW
CHUNK = 64
NCHUNK = BPW // CHUNK
DEPTH = 3
L = 16
NGRP = BPW // L

D_PROD, D_COL, D_DEPT = 21, 17, 24
D_SMALL = D_PROD + D_COL + D_DEPT
V_PROD, V_COL, V_DEPT = 133, 51, 301
OFF_P = 0
OFF_G = V_PROD * D_PROD
OFF_D = OFF_G + V_COL * D_COL
TSM = OFF_D + V_DEPT * D_DEPT


@functools.lru_cache(maxsize=None)
def _make_sc_gather(row0, nb):
  bpw = nb // NW
  nchunk = bpw // CHUNK
  ngrp = bpw // L
  mesh = plsc.VectorSubcoreMesh(core_axis_name="c", subcore_axis_name="s",
                                num_cores=NC, num_subcores=NS)

  @functools.partial(
      pl.kernel,
      out_type=(jax.ShapeDtypeStruct((nb, 256), jnp.float32),
                jax.ShapeDtypeStruct((D_SMALL, nb), jnp.float32)),
      mesh=mesh,
      compiler_params=pltpu.CompilerParams(needs_layout_passes=False),
      scratch_types=(
          [pltpu.VMEM((bpw,), jnp.int32) for _ in range(5)]
          + [pltpu.VMEM((CHUNK, 128), jnp.float32) for _ in range(2 * DEPTH)]
          + [pltpu.VMEM((TSM,), jnp.float32),
             pltpu.VMEM((D_SMALL, bpw), jnp.float32)]
          + [pltpu.SemaphoreType.DMA for _ in range(2 + 2 * DEPTH)]
      ),
  )
  def _sc_gather(cid, aid, pid, gid, did, tc, ta, tsm,
                 e12, e3t,
                 ic, ia, ip, ig, idp, rc0, rc1, rc2, ra0, ra1, ra2,
                 tsv, rst,
                 sem_s, sem_w3, gsem0, gsem1, gsem2, wsem0, wsem1, wsem2):
      w = lax.axis_index("s") * NC + lax.axis_index("c")
      base = w * bpw
      d_ic = pltpu.async_copy(cid.at[pl.ds(row0 + base, bpw)], ic, sem_s)
      d_ia = pltpu.async_copy(aid.at[pl.ds(row0 + base, bpw)], ia, sem_s)
      ds_i = [
          pltpu.async_copy(pid.at[pl.ds(row0 + base, bpw)], ip, sem_s),
          pltpu.async_copy(gid.at[pl.ds(row0 + base, bpw)], ig, sem_s),
          pltpu.async_copy(did.at[pl.ds(row0 + base, bpw)], idp, sem_s),
      ]
      dt = pltpu.async_copy(tsm, tsv, sem_s)
      d_ic.wait()
      d_ia.wait()

      cbuf = (rc0, rc1, rc2)
      abuf = (ra0, ra1, ra2)
      gsem = (gsem0, gsem1, gsem2)
      wsem = (wsem0, wsem1, wsem2)

      def fire(c):
          off = c * CHUNK
          s = gsem[c % DEPTH]
          return (
              pltpu.async_copy(tc.at[ic.at[pl.ds(off, CHUNK)]],
                               cbuf[c % DEPTH], s),
              pltpu.async_copy(ta.at[ia.at[pl.ds(off, CHUNK)]],
                               abuf[c % DEPTH], s),
          )

      gd = {c: fire(c) for c in range(DEPTH)}

      for d in ds_i:
          d.wait()
      dt.wait()

      ILP = 8

      def group_body(g, carry):
          r0 = g * L
          pb = ip[pl.ds(r0, L)] * D_PROD + OFF_P
          gb = ig[pl.ds(r0, L)] * D_COL + OFF_G
          db = idp[pl.ds(r0, L)] * D_DEPT + OFF_D
          cols = ([(d, pb + d) for d in range(D_PROD)]
                  + [(D_PROD + d, gb + d) for d in range(D_COL)]
                  + [(D_PROD + D_COL + d, db + d) for d in range(D_DEPT)])
          for i in range(0, D_SMALL, ILP):
              batch = cols[i:i + ILP]
              vals = [plsc.load_gather(tsv, [idx]) for _, idx in batch]
              for (row, _), v in zip(batch, vals):
                  rst[row, pl.ds(r0, L)] = v
          return carry

      lax.fori_loop(0, ngrp, group_body, 0)
      w3 = pltpu.async_copy(rst, e3t.at[pl.ds(0, D_SMALL), pl.ds(base, bpw)],
                            sem_w3)

      wd = {}
      for c in range(nchunk):
          gd[c][0].wait()
          gd[c][1].wait()
          r0 = base + c * CHUNK
          s = wsem[c % DEPTH]
          wd[c] = (
              pltpu.async_copy(cbuf[c % DEPTH], e12.at[pl.ds(r0, CHUNK),
                                                       pl.ds(0, 128)], s),
              pltpu.async_copy(abuf[c % DEPTH], e12.at[pl.ds(r0, CHUNK),
                                                       pl.ds(128, 128)], s),
          )
          if c + DEPTH < nchunk:
              wd[c][0].wait()
              wd[c][1].wait()
              gd[c + DEPTH] = fire(c + DEPTH)
      for c in range(max(0, nchunk - DEPTH), nchunk):
          wd[c][0].wait()
          wd[c][1].wait()
      w3.wait()

  return _sc_gather


def _mlp_body(e12, e3t, w1, b1, w2, b2, *prev_and_out):
    *prev, o_ref = prev_and_out
    h = jnp.dot(e12[...], w1[0:256], preferred_element_type=jnp.float32)
    h += lax.dot_general(e3t[...], w1[256:318], (((0,), (0,)), ((), ())),
                         preferred_element_type=jnp.float32)
    h = jnp.maximum(h + b1[...], 0.0)
    o = jnp.dot(h, w2[...], preferred_element_type=jnp.float32)
    o_ref[...] = jnp.maximum(o + b2[...], 0.0)


BT = 4096


def _mlp(e12, e3t, w1, b1, w2, b2, prev, blk0):
    nb = e12.shape[0]
    full = lambda r, c: pl.BlockSpec((r, c), lambda i: (0, 0))
    extra_specs = [] if prev is None else [pl.BlockSpec(memory_space=pl.ANY)]
    extra_args = [] if prev is None else [prev]
    def out_map(i, blk0=blk0):
        return (i + blk0, 0)
    return pl.pallas_call(
        _mlp_body,
        grid=(nb // BT,),
        in_specs=[
            pl.BlockSpec((BT, 256), lambda i: (i, 0)),
            pl.BlockSpec((D_SMALL, BT), lambda i: (0, i)),
            full(318, 256), full(1, 256), full(256, 64), full(1, 64),
        ] + extra_specs,
        out_specs=pl.BlockSpec((BT, 64), out_map),
        out_shape=jax.ShapeDtypeStruct((B, 64), jnp.float32),
        input_output_aliases={} if prev is None else {6: 0},
    )(e12, e3t, w1, b1.reshape(1, 256), w2, b2.reshape(1, 64), *extra_args)


NSPLIT = 1


def kernel(customer_id, article_id, product_type, colour_group, department,
           T_customer, T_article, T_product, T_colour, T_department,
           W1, b1, W2, b2):
    tsm = jnp.concatenate([T_product.reshape(-1), T_colour.reshape(-1),
                           T_department.reshape(-1)])
    nb = B // NSPLIT
    out = None
    for k in range(NSPLIT):
        e12, e3t = _make_sc_gather(k * nb, nb)(
            customer_id, article_id, product_type, colour_group, department,
            T_customer, T_article, tsm)
        out = _mlp(e12, e3t, W1, b1, W2, b2, out, k * (nb // BT))
    return out

# --- scband reference (transcript-rebuilt; emitter-appended) ---
"""Pipeline reference for scband-single-tower-model-87050397156058 (READ-ONLY COPY).

The authoritative reference and input builder live on the scoring server;
editing this copy changes nothing except your own understanding.
"""

import jax, jax.numpy as jnp
import numpy as np

B = 16384
VOCABS = {"customer_id": 1000001, "article_id": 100001, "product_type": 133, "colour_group": 51, "department": 301}
DIMS = {"customer_id": 128, "article_id": 128, "product_type": 21, "colour_group": 17, "department": 24}
CONCAT = 128 + 128 + 21 + 17 + 24  # 318


def setup_inputs(seed: int = 0) -> dict:
    key = jax.random.key(seed)
    ks = jax.random.split(key, 16)
    inp = {}
    inp["customer_id"] = jax.random.randint(ks[0], (B,), 0, VOCABS["customer_id"], dtype=jnp.int32)
    inp["article_id"] = jax.random.randint(ks[1], (B,), 0, VOCABS["article_id"], dtype=jnp.int32)
    inp["product_type"] = jax.random.randint(ks[2], (B,), 0, VOCABS["product_type"], dtype=jnp.int32)
    inp["colour_group"] = jax.random.randint(ks[3], (B,), 0, VOCABS["colour_group"], dtype=jnp.int32)
    inp["department"] = jax.random.randint(ks[4], (B,), 0, VOCABS["department"], dtype=jnp.int32)
    inp["T_customer"] = jax.random.normal(ks[5], (VOCABS["customer_id"], 128), jnp.float32) * 0.05
    inp["T_article"] = jax.random.normal(ks[6], (VOCABS["article_id"], 128), jnp.float32) * 0.05
    inp["T_product"] = jax.random.normal(ks[7], (VOCABS["product_type"], 21), jnp.float32) * 0.05
    inp["T_colour"] = jax.random.normal(ks[8], (VOCABS["colour_group"], 17), jnp.float32) * 0.05
    inp["T_department"] = jax.random.normal(ks[9], (VOCABS["department"], 24), jnp.float32) * 0.05
    inp["W1"] = jax.random.normal(ks[10], (CONCAT, 256), jnp.float32) * (1.0 / np.sqrt(CONCAT))
    inp["b1"] = jnp.zeros((256,), jnp.float32)
    inp["W2"] = jax.random.normal(ks[11], (256, 64), jnp.float32) * (1.0 / np.sqrt(256.0))
    inp["b2"] = jnp.zeros((64,), jnp.float32)
    return inp


def reference(customer_id, article_id, product_type, colour_group, department,
              T_customer, T_article, T_product, T_colour, T_department,
              W1, b1, W2, b2):
    # Embedding lookups for each categorical variable (gather rows)
    e = jnp.concatenate([
        jnp.take(T_customer, customer_id, axis=0),
        jnp.take(T_article, article_id, axis=0),
        jnp.take(T_product, product_type, axis=0),
        jnp.take(T_colour, colour_group, axis=0),
        jnp.take(T_department, department, axis=0),
    ], axis=1)
    h = jax.nn.relu(e @ W1 + b1)
    out = jax.nn.relu(h @ W2 + b2)
    return out

if __name__ == "__main__":
    import jax
    _d = setup_inputs()
    print(jax.jit(kernel)(*tuple(_d.values())))

</pallas_src>

<mosaic_0001>
#map = affine_map<(d0, d1) -> (0)>
#map1 = affine_map<(d0, d1) -> (0, 0)>
module attributes {stable_mosaic.version = 14 : i64} {
  func.func @_sc_gather(%arg0: i32, %arg1: i32, %arg2: memref<16384xi32, #tpu.memory_space<hbm>>, %arg3: memref<16384xi32, #tpu.memory_space<hbm>>, %arg4: memref<16384xi32, #tpu.memory_space<hbm>>, %arg5: memref<16384xi32, #tpu.memory_space<hbm>>, %arg6: memref<16384xi32, #tpu.memory_space<hbm>>, %arg7: memref<1000001x128xf32, #tpu.memory_space<hbm>>, %arg8: memref<100001x128xf32, #tpu.memory_space<hbm>>, %arg9: memref<10884xf32, #tpu.memory_space<hbm>>, %arg10: memref<16384x256xf32, #tpu.memory_space<hbm>>, %arg11: memref<62x16384xf32, #tpu.memory_space<hbm>>, %arg12: memref<512xi32, #tpu.memory_space<vmem>>, %arg13: memref<512xi32, #tpu.memory_space<vmem>>, %arg14: memref<512xi32, #tpu.memory_space<vmem>>, %arg15: memref<512xi32, #tpu.memory_space<vmem>>, %arg16: memref<512xi32, #tpu.memory_space<vmem>>, %arg17: memref<64x128xf32, #tpu.memory_space<vmem>>, %arg18: memref<64x128xf32, #tpu.memory_space<vmem>>, %arg19: memref<64x128xf32, #tpu.memory_space<vmem>>, %arg20: memref<64x128xf32, #tpu.memory_space<vmem>>, %arg21: memref<64x128xf32, #tpu.memory_space<vmem>>, %arg22: memref<64x128xf32, #tpu.memory_space<vmem>>, %arg23: memref<10884xf32, #tpu.memory_space<vmem>>, %arg24: memref<62x512xf32, #tpu.memory_space<vmem>>, %arg25: memref<!tpu.dma_semaphore, #tpu.memory_space<semaphore_mem>>, %arg26: memref<!tpu.dma_semaphore, #tpu.memory_space<semaphore_mem>>, %arg27: memref<!tpu.dma_semaphore, #tpu.memory_space<semaphore_mem>>, %arg28: memref<!tpu.dma_semaphore, #tpu.memory_space<semaphore_mem>>, %arg29: memref<!tpu.dma_semaphore, #tpu.memory_space<semaphore_mem>>, %arg30: memref<!tpu.dma_semaphore, #tpu.memory_space<semaphore_mem>>, %arg31: memref<!tpu.dma_semaphore, #tpu.memory_space<semaphore_mem>>, %arg32: memref<!tpu.dma_semaphore, #tpu.memory_space<semaphore_mem>>) attributes {dimension_semantics = [#tpu.dimension_semantics<core_parallel>, #tpu.dimension_semantics<subcore_parallel>], iteration_bounds = array<i64: 2, 16>, scalar_prefetch = 0 : i64, scratch_operands = 21 : i64, tpu.core_type = #tpu.core_type<sc_vector_subcore>, window_params = [{transform_indices = #map}, {transform_indices = #map}, {transform_indices = #map}, {transform_indices = #map}, {transform_indices = #map}, {transform_indices = #map1}, {transform_indices = #map1}, {transform_indices = #map}, {transform_indices = #map1}, {transform_indices = #map1}]} {
    %mul3A = arith.constant 2 : i32
    %mul3A_0 = arith.muli %arg1, %mul3A : i32
    %add3A = arith.addi %mul3A_0, %arg0 : i32
    %mul3A_1 = arith.constant 512 : i32
    %mul3A_2 = arith.muli %add3A, %mul3A_1 : i32
    %add3A_3 = arith.constant 0 : i32
    %add3A_4 = arith.addi %add3A_3, %mul3A_2 : i32
    %dma_start3A = tpu.memref_slice %arg2[%add3A_4] : memref<16384xi32, #tpu.memory_space<hbm>> -> memref<512xi32, #tpu.memory_space<hbm>>
    %dma_start3A_5 = tpu.memref_slice %arg2[%add3A_4] : memref<16384xi32, #tpu.memory_space<hbm>> -> memref<512xi32, #tpu.memory_space<hbm>>
    tpu.enqueue_dma source(%dma_start3A_5 : memref<512xi32, #tpu.memory_space<hbm>>) target(%arg12 : memref<512xi32, #tpu.memory_space<vmem>>) target_semaphore(%arg25 : memref<!tpu.dma_semaphore, #tpu.memory_space<semaphore_mem>>)
    %add3A_6 = arith.constant 0 : i32
    %add3A_7 = arith.addi %add3A_6, %mul3A_2 : i32
    %dma_start3A_8 = tpu.memref_slice %arg3[%add3A_7] : memref<16384xi32, #tpu.memory_space<hbm>> -> memref<512xi32, #tpu.memory_space<hbm>>
    %dma_start3A_9 = tpu.memref_slice %arg3[%add3A_7] : memref<16384xi32, #tpu.memory_space<hbm>> -> memref<512xi32, #tpu.memory_space<hbm>>
    tpu.enqueue_dma source(%dma_start3A_9 : memref<512xi32, #tpu.memory_space<hbm>>) target(%arg13 : memref<512xi32, #tpu.memory_space<vmem>>) target_semaphore(%arg25 : memref<!tpu.dma_semaphore, #tpu.memory_space<semaphore_mem>>)
    %add3A_10 = arith.constant 0 : i32
    %add3A_11 = arith.addi %add3A_10, %mul3A_2 : i32
    %dma_start3A_12 = tpu.memref_slice %arg4[%add3A_11] : memref<16384xi32, #tpu.memory_space<hbm>> -> memref<512xi32, #tpu.memory_space<hbm>>
    %dma_start3A_13 = tpu.memref_slice %arg4[%add3A_11] : memref<16384xi32, #tpu.memory_space<hbm>> -> memref<512xi32, #tpu.memory_space<hbm>>
    tpu.enqueue_dma source(%dma_start3A_13 : memref<512xi32, #tpu.memory_space<hbm>>) target(%arg14 : memref<512xi32, #tpu.memory_space<vmem>>) target_semaphore(%arg25 : memref<!tpu.dma_semaphore, #tpu.memory_space<semaphore_mem>>)
    %add3A_14 = arith.constant 0 : i32
    %add3A_15 = arith.addi %add3A_14, %mul3A_2 : i32
    %dma_start3A_16 = tpu.memref_slice %arg5[%add3A_15] : memref<16384xi32, #tpu.memory_space<hbm>> -> memref<512xi32, #tpu.memory_space<hbm>>
    %dma_start3A_17 = tpu.memref_slice %arg5[%add3A_15] : memref<16384xi32, #tpu.memory_space<hbm>> -> memref<512xi32, #tpu.memory_space<hbm>>
    tpu.enqueue_dma source(%dma_start3A_17 : memref<512xi32, #tpu.memory_space<hbm>>) target(%arg15 : memref<512xi32, #tpu.memory_space<vmem>>) target_semaphore(%arg25 : memref<!tpu.dma_semaphore, #tpu.memory_space<semaphore_mem>>)
    %add3A_18 = arith.constant 0 : i32
    %add3A_19 = arith.addi %add3A_18, %mul3A_2 : i32
    %dma_start3A_20 = tpu.memref_slice %arg6[%add3A_19] : memref<16384xi32, #tpu.memory_space<hbm>> -> memref<512xi32, #tpu.memory_space<hbm>>
    %dma_start3A_21 = tpu.memref_slice %arg6[%add3A_19] : memref<16384xi32, #tpu.memory_space<hbm>> -> memref<512xi32, #tpu.memory_space<hbm>>
    tpu.enqueue_dma source(%dma_start3A_21 : memref<512xi32, #tpu.memory_space<hbm>>) target(%arg16 : memref<512xi32, #tpu.memory_space<vmem>>) target_semaphore(%arg25 : memref<!tpu.dma_semaphore, #tpu.memory_space<semaphore_mem>>)
    tpu.enqueue_dma source(%arg9 : memref<10884xf32, #tpu.memory_space<hbm>>) target(%arg23 : memref<10884xf32, #tpu.memory_space<vmem>>) target_semaphore(%arg25 : memref<!tpu.dma_semaphore, #tpu.memory_space<semaphore_mem>>)
    %dma_wait3A = tpu.memref_slice %arg2[%add3A_4] : memref<16384xi32, #tpu.memory_space<hbm>> -> memref<512xi32, #tpu.memory_space<hbm>>
    %dma_wait3A_22 = tpu.memref_slice %arg2[%add3A_4] : memref<16384xi32, #tpu.memory_space<hbm>> -> memref<512xi32, #tpu.memory_space<hbm>>
    tpu.wait_dma2 semaphore(%arg25 : memref<!tpu.dma_semaphore, #tpu.memory_space<semaphore_mem>>) src(%dma_wait3A_22 : memref<512xi32, #tpu.memory_space<hbm>>) dst(%arg12 : memref<512xi32, #tpu.memory_space<vmem>>)
    %dma_wait3A_23 = tpu.memref_slice %arg3[%add3A_7] : memref<16384xi32, #tpu.memory_space<hbm>> -> memref<512xi32, #tpu.memory_space<hbm>>
    %dma_wait3A_24 = tpu.memref_slice %arg3[%add3A_7] : memref<16384xi32, #tpu.memory_space<hbm>> -> memref<512xi32, #tpu.memory_space<hbm>>
    tpu.wait_dma2 semaphore(%arg25 : memref<!tpu.dma_semaphore, #tpu.memory_space<semaphore_mem>>) src(%dma_wait3A_24 : memref<512xi32, #tpu.memory_space<hbm>>) dst(%arg13 : memref<512xi32, #tpu.memory_space<vmem>>)
    %dma_start3A_25 = arith.constant 0 : i32
    %dma_start3A_26 = tpu.memref_slice %arg12[%dma_start3A_25] : memref<512xi32, #tpu.memory_space<vmem>> -> memref<64xi32, #tpu.memory_space<vmem>>
    %dma_start3A_27 = arith.constant 0 : i32
    %dma_start3A_28 = arith.constant 0 : i32
    %dma_start3A_29 = tpu.memref_slice %arg7[%dma_start3A_27, %dma_start3A_28] : memref<1000001x128xf32, #tpu.memory_space<hbm>> -> memref<1000001x128xf32, #tpu.memory_space<hbm>>
    tpu.enqueue_indirect_dma source(%dma_start3A_29 : memref<1000001x128xf32, #tpu.memory_space<hbm>>) target(%arg17 : memref<64x128xf32, #tpu.memory_space<vmem>>) offsets(%dma_start3A_26 : memref<64xi32, #tpu.memory_space<vmem>>) semaphore(%arg27 : memref<!tpu.dma_semaphore, #tpu.memory_space<semaphore_mem>>)
    %dma_start3A_30 = arith.constant 0 : i32
    %dma_start3A_31 = tpu.memref_slice %arg13[%dma_start3A_30] : memref<512xi32, #tpu.memory_space<vmem>> -> memref<64xi32, #tpu.memory_space<vmem>>
    %dma_start3A_32 = arith.constant 0 : i32
    %dma_start3A_33 = arith.constant 0 : i32
    %dma_start3A_34 = tpu.memref_slice %arg8[%dma_start3A_32, %dma_start3A_33] : memref<100001x128xf32, #tpu.memory_space<hbm>> -> memref<100001x128xf32, #tpu.memory_space<hbm>>
    tpu.enqueue_indirect_dma source(%dma_start3A_34 : memref<100001x128xf32, #tpu.memory_space<hbm>>) target(%arg20 : memref<64x128xf32, #tpu.memory_space<vmem>>) offsets(%dma_start3A_31 : memref<64xi32, #tpu.memory_space<vmem>>) semaphore(%arg27 : memref<!tpu.dma_semaphore, #tpu.memory_space<semaphore_mem>>)
    %dma_start3A_35 = arith.constant 64 : i32
    %dma_start3A_36 = tpu.memref_slice %arg12[%dma_start3A_35] : memref<512xi32, #tpu.memory_space<vmem>> -> memref<64xi32, #tpu.memory_space<vmem>>
    %dma_start3A_37 = arith.constant 0 : i32
    %dma_start3A_38 = arith.constant 0 : i32
    %dma_start3A_39 = tpu.memref_slice %arg7[%dma_start3A_37, %dma_start3A_38] : memref<1000001x128xf32, #tpu.memory_space<hbm>> -> memref<1000001x128xf32, #tpu.memory_space<hbm>>
    tpu.enqueue_indirect_dma source(%dma_start3A_39 : memref<1000001x128xf32, #tpu.memory_space<hbm>>) target(%arg18 : memref<64x128xf32, #tpu.memory_space<vmem>>) offsets(%dma_start3A_36 : memref<64xi32, #tpu.memory_space<vmem>>) semaphore(%arg28 : memref<!tpu.dma_semaphore, #tpu.memory_space<semaphore_mem>>)
    %dma_start3A_40 = arith.constant 64 : i32
    %dma_start3A_41 = tpu.memref_slice %arg13[%dma_start3A_40] : memref<512xi32, #tpu.memory_space<vmem>> -> memref<64xi32, #tpu.memory_space<vmem>>
    %dma_start3A_42 = arith.constant 0 : i32
    %dma_start3A_43 = arith.constant 0 : i32
    %dma_start3A_44 = tpu.memref_slice %arg8[%dma_start3A_42, %dma_start3A_43] : memref<100001x128xf32, #tpu.memory_space<hbm>> -> memref<100001x128xf32, #tpu.memory_space<hbm>>
    tpu.enqueue_indirect_dma source(%dma_start3A_44 : memref<100001x128xf32, #tpu.memory_space<hbm>>) target(%arg21 : memref<64x128xf32, #tpu.memory_space<vmem>>) offsets(%dma_start3A_41 : memref<64xi32, #tpu.memory_space<vmem>>) semaphore(%arg28 : memref<!tpu.dma_semaphore, #tpu.memory_space<semaphore_mem>>)
    %dma_start3A_45 = arith.constant 128 : i32
    %dma_start3A_46 = tpu.memref_slice %arg12[%dma_start3A_45] : memref<512xi32, #tpu.memory_space<vmem>> -> memref<64xi32, #tpu.memory_space<vmem>>
    %dma_start3A_47 = arith.constant 0 : i32
    %dma_start3A_48 = arith.constant 0 : i32
    %dma_start3A_49 = tpu.memref_slice %arg7[%dma_start3A_47, %dma_start3A_48] : memref<1000001x128xf32, #tpu.memory_space<hbm>> -> memref<1000001x128xf32, #tpu.memory_space<hbm>>
    tpu.enqueue_indirect_dma source(%dma_start3A_49 : memref<1000001x128xf32, #tpu.memory_space<hbm>>) target(%arg19 : memref<64x128xf32, #tpu.memory_space<vmem>>) offsets(%dma_start3A_46 : memref<64xi32, #tpu.memory_space<vmem>>) semaphore(%arg29 : memref<!tpu.dma_semaphore, #tpu.memory_space<semaphore_mem>>)
    %dma_start3A_50 = arith.constant 128 : i32
    %dma_start3A_51 = tpu.memref_slice %arg13[%dma_start3A_50] : memref<512xi32, #tpu.memory_space<vmem>> -> memref<64xi32, #tpu.memory_space<vmem>>
    %dma_start3A_52 = arith.constant 0 : i32
    %dma_start3A_53 = arith.constant 0 : i32
    %dma_start3A_54 = tpu.memref_slice %arg8[%dma_start3A_52, %dma_start3A_53] : memref<100001x128xf32, #tpu.memory_space<hbm>> -> memref<100001x128xf32, #tpu.memory_space<hbm>>
    tpu.enqueue_indirect_dma source(%dma_start3A_54 : memref<100001x128xf32, #tpu.memory_space<hbm>>) target(%arg22 : memref<64x128xf32, #tpu.memory_space<vmem>>) offsets(%dma_start3A_51 : memref<64xi32, #tpu.memory_space<vmem>>) semaphore(%arg29 : memref<!tpu.dma_semaphore, #tpu.memory_space<semaphore_mem>>)
    %dma_wait3A_55 = tpu.memref_slice %arg4[%add3A_11] : memref<16384xi32, #tpu.memory_space<hbm>> -> memref<512xi32, #tpu.memory_space<hbm>>
    %dma_wait3A_56 = tpu.memref_slice %arg4[%add3A_11] : memref<16384xi32, #tpu.memory_space<hbm>> -> memref<512xi32, #tpu.memory_space<hbm>>
    tpu.wait_dma2 semaphore(%arg25 : memref<!tpu.dma_semaphore, #tpu.memory_space<semaphore_mem>>) src(%dma_wait3A_56 : memref<512xi32, #tpu.memory_space<hbm>>) dst(%arg14 : memref<512xi32, #tpu.memory_space<vmem>>)
    %dma_wait3A_57 = tpu.memref_slice %arg5[%add3A_15] : memref<16384xi32, #tpu.memory_space<hbm>> -> memref<512xi32, #tpu.memory_space<hbm>>
    %dma_wait3A_58 = tpu.memref_slice %arg5[%add3A_15] : memref<16384xi32, #tpu.memory_space<hbm>> -> memref<512xi32, #tpu.memory_space<hbm>>
    tpu.wait_dma2 semaphore(%arg25 : memref<!tpu.dma_semaphore, #tpu.memory_space<semaphore_mem>>) src(%dma_wait3A_58 : memref<512xi32, #tpu.memory_space<hbm>>) dst(%arg15 : memref<512xi32, #tpu.memory_space<vmem>>)
    %dma_wait3A_59 = tpu.memref_slice %arg6[%add3A_19] : memref<16384xi32, #tpu.memory_space<hbm>> -> memref<512xi32, #tpu.memory_space<hbm>>
    %dma_wait3A_60 = tpu.memref_slice %arg6[%add3A_19] : memref<16384xi32, #tpu.memory_space<hbm>> -> memref<512xi32, #tpu.memory_space<hbm>>
    tpu.wait_dma2 semaphore(%arg25 : memref<!tpu.dma_semaphore, #tpu.memory_space<semaphore_mem>>) src(%dma_wait3A_60 : memref<512xi32, #tpu.memory_space<hbm>>) dst(%arg16 : memref<512xi32, #tpu.memory_space<vmem>>)
    tpu.wait_dma2 semaphore(%arg25 : memref<!tpu.dma_semaphore, #tpu.memory_space<semaphore_mem>>) src(%arg9 : memref<10884xf32, #tpu.memory_space<hbm>>) dst(%arg23 : memref<10884xf32, #tpu.memory_space<vmem>>)
    %scan3A = arith.constant 0 : i32
    %scan3A_61 = arith.constant 0 : i32
    %scan3A_62 = arith.constant 32 : i32
    %scan3A_63 = arith.addi %scan3A_61, %scan3A_62 : i32
    %scan3A_64 = arith.constant 1 : i32
    scf.for %scan3A_348 = %scan3A_61 to %scan3A_63 step %scan3A_64  : i32 {
      %mul3A_349 = arith.constant 16 : i32
      %mul3A_350 = arith.muli %scan3A_348, %mul3A_349 : i32
      %get3A = arith.index_cast %mul3A_350 : i32 to index
      %get3A_351 = tpu.vector_load %arg14[%get3A] {strides = array<i32>} : memref<512xi32, #tpu.memory_space<vmem>>, vector<16xi32>,
      %mul3A_352 = arith.constant 21 : i32
      %mul3A_353 = vector.broadcast %mul3A_352 : i32 to vector<16xi32>
      %mul3A_354 = arith.muli %get3A_351, %mul3A_353 : vector<16xi32>
      %add3A_355 = arith.constant 0 : i32
      %add3A_356 = vector.broadcast %add3A_355 : i32 to vector<16xi32>
      %add3A_357 = arith.addi %mul3A_354, %add3A_356 : vector<16xi32>
      %get3A_358 = arith.index_cast %mul3A_350 : i32 to index
      %get3A_359 = tpu.vector_load %arg15[%get3A_358] {strides = array<i32>} : memref<512xi32, #tpu.memory_space<vmem>>, vector<16xi32>,
      %mul3A_360 = arith.constant 17 : i32
      %mul3A_361 = vector.broadcast %mul3A_360 : i32 to vector<16xi32>
      %mul3A_362 = arith.muli %get3A_359, %mul3A_361 : vector<16xi32>
      %add3A_363 = arith.constant 2793 : i32
      %add3A_364 = vector.broadcast %add3A_363 : i32 to vector<16xi32>
      %add3A_365 = arith.addi %mul3A_362, %add3A_364 : vector<16xi32>
      %get3A_366 = arith.index_cast %mul3A_350 : i32 to index
      %get3A_367 = tpu.vector_load %arg16[%get3A_366] {strides = array<i32>} : memref<512xi32, #tpu.memory_space<vmem>>, vector<16xi32>,
      %mul3A_368 = arith.constant 24 : i32
      %mul3A_369 = vector.broadcast %mul3A_368 : i32 to vector<16xi32>
      %mul3A_370 = arith.muli %get3A_367, %mul3A_369 : vector<16xi32>
      %add3A_371 = arith.constant 3660 : i32
      %add3A_372 = vector.broadcast %add3A_371 : i32 to vector<16xi32>
      %add3A_373 = arith.addi %mul3A_370, %add3A_372 : vector<16xi32>
      %add3A_374 = arith.constant 0 : i32
      %add3A_375 = vector.broadcast %add3A_374 : i32 to vector<16xi32>
      %add3A_376 = arith.addi %add3A_357, %add3A_375 : vector<16xi32>
      %add3A_377 = arith.constant 1 : i32
      %add3A_378 = vector.broadcast %add3A_377 : i32 to vector<16xi32>
      %add3A_379 = arith.addi %add3A_357, %add3A_378 : vector<16xi32>
      %add3A_380 = arith.constant 2 : i32
      %add3A_381 = vector.broadcast %add3A_380 : i32 to vector<16xi32>
      %add3A_382 = arith.addi %add3A_357, %add3A_381 : vector<16xi32>
      %add3A_383 = arith.constant 3 : i32
      %add3A_384 = vector.broadcast %add3A_383 : i32 to vector<16xi32>
      %add3A_385 = arith.addi %add3A_357, %add3A_384 : vector<16xi32>
      %add3A_386 = arith.constant 4 : i32
      %add3A_387 = vector.broadcast %add3A_386 : i32 to vector<16xi32>
      %add3A_388 = arith.addi %add3A_357, %add3A_387 : vector<16xi32>
      %add3A_389 = arith.constant 5 : i32
      %add3A_390 = vector.broadcast %add3A_389 : i32 to vector<16xi32>
      %add3A_391 = arith.addi %add3A_357, %add3A_390 : vector<16xi32>
      %add3A_392 = arith.constant 6 : i32
      %add3A_393 = vector.broadcast %add3A_392 : i32 to vector<16xi32>
      %add3A_394 = arith.addi %add3A_357, %add3A_393 : vector<16xi32>
      %add3A_395 = arith.constant 7 : i32
      %add3A_396 = vector.broadcast %add3A_395 : i32 to vector<16xi32>
      %add3A_397 = arith.addi %add3A_357, %add3A_396 : vector<16xi32>
      %add3A_398 = arith.constant 8 : i32
      %add3A_399 = vector.broadcast %add3A_398 : i32 to vector<16xi32>
      %add3A_400 = arith.addi %add3A_357, %add3A_399 : vector<16xi32>
      %add3A_401 = arith.constant 9 : i32
      %add3A_402 = vector.broadcast %add3A_401 : i32 to vector<16xi32>
      %add3A_403 = arith.addi %add3A_357, %add3A_402 : vector<16xi32>
      %add3A_404 = arith.constant 10 : i32
      %add3A_405 = vector.broadcast %add3A_404 : i32 to vector<16xi32>
      %add3A_406 = arith.addi %add3A_357, %add3A_405 : vector<16xi32>
      %add3A_407 = arith.constant 11 : i32
      %add3A_408 = vector.broadcast %add3A_407 : i32 to vector<16xi32>
      %add3A_409 = arith.addi %add3A_357, %add3A_408 : vector<16xi32>
      %add3A_410 = arith.constant 12 : i32
      %add3A_411 = vector.broadcast %add3A_410 : i32 to vector<16xi32>
      %add3A_412 = arith.addi %add3A_357, %add3A_411 : vector<16xi32>
      %add3A_413 = arith.constant 13 : i32
      %add3A_414 = vector.broadcast %add3A_413 : i32 to vector<16xi32>
      %add3A_415 = arith.addi %add3A_357, %add3A_414 : vector<16xi32>
      %add3A_416 = arith.constant 14 : i32
      %add3A_417 = vector.broadcast %add3A_416 : i32 to vector<16xi32>
      %add3A_418 = arith.addi %add3A_357, %add3A_417 : vector<16xi32>
      %add3A_419 = arith.constant 15 : i32
      %add3A_420 = vector.broadcast %add3A_419 : i32 to vector<16xi32>
      %add3A_421 = arith.addi %add3A_357, %add3A_420 : vector<16xi32>
      %add3A_422 = arith.constant 16 : i32
      %add3A_423 = vector.broadcast %add3A_422 : i32 to vector<16xi32>
      %add3A_424 = arith.addi %add3A_357, %add3A_423 : vector<16xi32>
      %add3A_425 = arith.constant 17 : i32
      %add3A_426 = vector.broadcast %add3A_425 : i32 to vector<16xi32>
      %add3A_427 = arith.addi %add3A_357, %add3A_426 : vector<16xi32>
      %add3A_428 = arith.constant 18 : i32
      %add3A_429 = vector.broadcast %add3A_428 : i32 to vector<16xi32>
      %add3A_430 = arith.addi %add3A_357, %add3A_429 : vector<16xi32>
      %add3A_431 = arith.constant 19 : i32
      %add3A_432 = vector.broadcast %add3A_431 : i32 to vector<16xi32>
      %add3A_433 = arith.addi %add3A_357, %add3A_432 : vector<16xi32>
      %add3A_434 = arith.constant 20 : i32
      %add3A_435 = vector.broadcast %add3A_434 : i32 to vector<16xi32>
      %add3A_436 = arith.addi %add3A_357, %add3A_435 : vector<16xi32>
      %add3A_437 = arith.constant 0 : i32
      %add3A_438 = vector.broadcast %add3A_437 : i32 to vector<16xi32>
      %add3A_439 = arith.addi %add3A_365, %add3A_438 : vector<16xi32>
      %add3A_440 = arith.constant 1 : i32
      %add3A_441 = vector.broadcast %add3A_440 : i32 to vector<16xi32>
      %add3A_442 = arith.addi %add3A_365, %add3A_441 : vector<16xi32>
      %add3A_443 = arith.constant 2 : i32
      %add3A_444 = vector.broadcast %add3A_443 : i32 to vector<16xi32>
      %add3A_445 = arith.addi %add3A_365, %add3A_444 : vector<16xi32>
      %add3A_446 = arith.constant 3 : i32
      %add3A_447 = vector.broadcast %add3A_446 : i32 to vector<16xi32>
      %add3A_448 = arith.addi %add3A_365, %add3A_447 : vector<16xi32>
      %add3A_449 = arith.constant 4 : i32
      %add3A_450 = vector.broadcast %add3A_449 : i32 to vector<16xi32>
      %add3A_451 = arith.addi %add3A_365, %add3A_450 : vector<16xi32>
      %add3A_452 = arith.constant 5 : i32
      %add3A_453 = vector.broadcast %add3A_452 : i32 to vector<16xi32>
      %add3A_454 = arith.addi %add3A_365, %add3A_453 : vector<16xi32>
      %add3A_455 = arith.constant 6 : i32
      %add3A_456 = vector.broadcast %add3A_455 : i32 to vector<16xi32>
      %add3A_457 = arith.addi %add3A_365, %add3A_456 : vector<16xi32>
      %add3A_458 = arith.constant 7 : i32
      %add3A_459 = vector.broadcast %add3A_458 : i32 to vector<16xi32>
      %add3A_460 = arith.addi %add3A_365, %add3A_459 : vector<16xi32>
      %add3A_461 = arith.constant 8 : i32
      %add3A_462 = vector.broadcast %add3A_461 : i32 to vector<16xi32>
      %add3A_463 = arith.addi %add3A_365, %add3A_462 : vector<16xi32>
      %add3A_464 = arith.constant 9 : i32
      %add3A_465 = vector.broadcast %add3A_464 : i32 to vector<16xi32>
      %add3A_466 = arith.addi %add3A_365, %add3A_465 : vector<16xi32>
      %add3A_467 = arith.constant 10 : i32
      %add3A_468 = vector.broadcast %add3A_467 : i32 to vector<16xi32>
      %add3A_469 = arith.addi %add3A_365, %add3A_468 : vector<16xi32>
      %add3A_470 = arith.constant 11 : i32
      %add3A_471 = vector.broadcast %add3A_470 : i32 to vector<16xi32>
      %add3A_472 = arith.addi %add3A_365, %add3A_471 : vector<16xi32>
      %add3A_473 = arith.constant 12 : i32
      %add3A_474 = vector.broadcast %add3A_473 : i32 to vector<16xi32>
      %add3A_475 = arith.addi %add3A_365, %add3A_474 : vector<16xi32>
      %add3A_476 = arith.constant 13 : i32
      %add3A_477 = vector.broadcast %add3A_476 : i32 to vector<16xi32>
      %add3A_478 = arith.addi %add3A_365, %add3A_477 : vector<16xi32>
      %add3A_479 = arith.constant 14 : i32
      %add3A_480 = vector.broadcast %add3A_479 : i32 to vector<16xi32>
      %add3A_481 = arith.addi %add3A_365, %add3A_480 : vector<16xi32>
      %add3A_482 = arith.constant 15 : i32
      %add3A_483 = vector.broadcast %add3A_482 : i32 to vector<16xi32>
      %add3A_484 = arith.addi %add3A_365, %add3A_483 : vector<16xi32>
      %add3A_485 = arith.constant 16 : i32
      %add3A_486 = vector.broadcast %add3A_485 : i32 to vector<16xi32>
      %add3A_487 = arith.addi %add3A_365, %add3A_486 : vector<16xi32>
      %add3A_488 = arith.constant 0 : i32
      %add3A_489 = vector.broadcast %add3A_488 : i32 to vector<16xi32>
      %add3A_490 = arith.addi %add3A_373, %add3A_489 : vector<16xi32>
      %add3A_491 = arith.constant 1 : i32
      %add3A_492 = vector.broadcast %add3A_491 : i32 to vector<16xi32>
      %add3A_493 = arith.addi %add3A_373, %add3A_492 : vector<16xi32>
      %add3A_494 = arith.constant 2 : i32
      %add3A_495 = vector.broadcast %add3A_494 : i32 to vector<16xi32>
      %add3A_496 = arith.addi %add3A_373, %add3A_495 : vector<16xi32>
      %add3A_497 = arith.constant 3 : i32
      %add3A_498 = vector.broadcast %add3A_497 : i32 to vector<16xi32>
      %add3A_499 = arith.addi %add3A_373, %add3A_498 : vector<16xi32>
      %add3A_500 = arith.constant 4 : i32
      %add3A_501 = vector.broadcast %add3A_500 : i32 to vector<16xi32>
      %add3A_502 = arith.addi %add3A_373, %add3A_501 : vector<16xi32>
      %add3A_503 = arith.constant 5 : i32
      %add3A_504 = vector.broadcast %add3A_503 : i32 to vector<16xi32>
      %add3A_505 = arith.addi %add3A_373, %add3A_504 : vector<16xi32>
      %add3A_506 = arith.constant 6 : i32
      %add3A_507 = vector.broadcast %add3A_506 : i32 to vector<16xi32>
      %add3A_508 = arith.addi %add3A_373, %add3A_507 : vector<16xi32>
      %add3A_509 = arith.constant 7 : i32
      %add3A_510 = vector.broadcast %add3A_509 : i32 to vector<16xi32>
      %add3A_511 = arith.addi %add3A_373, %add3A_510 : vector<16xi32>
      %add3A_512 = arith.constant 8 : i32
      %add3A_513 = vector.broadcast %add3A_512 : i32 to vector<16xi32>
      %add3A_514 = arith.addi %add3A_373, %add3A_513 : vector<16xi32>
      %add3A_515 = arith.constant 9 : i32
      %add3A_516 = vector.broadcast %add3A_515 : i32 to vector<16xi32>
      %add3A_517 = arith.addi %add3A_373, %add3A_516 : vector<16xi32>
      %add3A_518 = arith.constant 10 : i32
      %add3A_519 = vector.broadcast %add3A_518 : i32 to vector<16xi32>
      %add3A_520 = arith.addi %add3A_373, %add3A_519 : vector<16xi32>
      %add3A_521 = arith.constant 11 : i32
      %add3A_522 = vector.broadcast %add3A_521 : i32 to vector<16xi32>
      %add3A_523 = arith.addi %add3A_373, %add3A_522 : vector<16xi32>
      %add3A_524 = arith.constant 12 : i32
      %add3A_525 = vector.broadcast %add3A_524 : i32 to vector<16xi32>
      %add3A_526 = arith.addi %add3A_373, %add3A_525 : vector<16xi32>
      %add3A_527 = arith.constant 13 : i32
      %add3A_528 = vector.broadcast %add3A_527 : i32 to vector<16xi32>
      %add3A_529 = arith.addi %add3A_373, %add3A_528 : vector<16xi32>
      %add3A_530 = arith.constant 14 : i32
      %add3A_531 = vector.broadcast %add3A_530 : i32 to vector<16xi32>
      %add3A_532 = arith.addi %add3A_373, %add3A_531 : vector<16xi32>
      %add3A_533 = arith.constant 15 : i32
      %add3A_534 = vector.broadcast %add3A_533 : i32 to vector<16xi32>
      %add3A_535 = arith.addi %add3A_373, %add3A_534 : vector<16xi32>
      %add3A_536 = arith.constant 16 : i32
      %add3A_537 = vector.broadcast %add3A_536 : i32 to vector<16xi32>
      %add3A_538 = arith.addi %add3A_373, %add3A_537 : vector<16xi32>
      %add3A_539 = arith.constant 17 : i32
      %add3A_540 = vector.broadcast %add3A_539 : i32 to vector<16xi32>
      %add3A_541 = arith.addi %add3A_373, %add3A_540 : vector<16xi32>
      %add3A_542 = arith.constant 18 : i32
      %add3A_543 = vector.broadcast %add3A_542 : i32 to vector<16xi32>
      %add3A_544 = arith.addi %add3A_373, %add3A_543 : vector<16xi32>
      %add3A_545 = arith.constant 19 : i32
      %add3A_546 = vector.broadcast %add3A_545 : i32 to vector<16xi32>
      %add3A_547 = arith.addi %add3A_373, %add3A_546 : vector<16xi32>
      %add3A_548 = arith.constant 20 : i32
      %add3A_549 = vector.broadcast %add3A_548 : i32 to vector<16xi32>
      %add3A_550 = arith.addi %add3A_373, %add3A_549 : vector<16xi32>
      %add3A_551 = arith.constant 21 : i32
      %add3A_552 = vector.broadcast %add3A_551 : i32 to vector<16xi32>
      %add3A_553 = arith.addi %add3A_373, %add3A_552 : vector<16xi32>
      %add3A_554 = arith.constant 22 : i32
      %add3A_555 = vector.broadcast %add3A_554 : i32 to vector<16xi32>
      %add3A_556 = arith.addi %add3A_373, %add3A_555 : vector<16xi32>
      %add3A_557 = arith.constant 23 : i32
      %add3A_558 = vector.broadcast %add3A_557 : i32 to vector<16xi32>
      %add3A_559 = arith.addi %add3A_373, %add3A_558 : vector<16xi32>
      %gather3A = tpu.vector_load_idx %arg23[%add3A_376] : memref<10884xf32, #tpu.memory_space<vmem>>[vector<16xi32>], vector<16xf32>,
      %gather3A_560 = tpu.vector_load_idx %arg23[%add3A_379] : memref<10884xf32, #tpu.memory_space<vmem>>[vector<16xi32>], vector<16xf32>,
      %gather3A_561 = tpu.vector_load_idx %arg23[%add3A_382] : memref<10884xf32, #tpu.memory_space<vmem>>[vector<16xi32>], vector<16xf32>,
      %gather3A_562 = tpu.vector_load_idx %arg23[%add3A_385] : memref<10884xf32, #tpu.memory_space<vmem>>[vector<16xi32>], vector<16xf32>,
      %gather3A_563 = tpu.vector_load_idx %arg23[%add3A_388] : memref<10884xf32, #tpu.memory_space<vmem>>[vector<16xi32>], vector<16xf32>,
      %gather3A_564 = tpu.vector_load_idx %arg23[%add3A_391] : memref<10884xf32, #tpu.memory_space<vmem>>[vector<16xi32>], vector<16xf32>,
      %gather3A_565 = tpu.vector_load_idx %arg23[%add3A_394] : memref<10884xf32, #tpu.memory_space<vmem>>[vector<16xi32>], vector<16xf32>,
      %gather3A_566 = tpu.vector_load_idx %arg23[%add3A_397] : memref<10884xf32, #tpu.memory_space<vmem>>[vector<16xi32>], vector<16xf32>,
      %swap3A = arith.constant 0 : i32
      %swap3A_567 = arith.index_cast %swap3A : i32 to index
      %swap3A_568 = arith.index_cast %mul3A_350 : i32 to index
      %swap3A_569 = tpu.vector_load %arg24[%swap3A_567, %swap3A_568] {strides = array<i32>} : memref<62x512xf32, #tpu.memory_space<vmem>>, vector<16xf32>,
      tpu.vector_store %arg24[%swap3A_567, %swap3A_568], %gather3A {strides = array<i32>} : memref<62x512xf32, #tpu.memory_space<vmem>>, vector<16xf32>,
      %swap3A_570 = arith.constant 1 : i32
      %swap3A_571 = arith.index_cast %swap3A_570 : i32 to index
      %swap3A_572 = arith.index_cast %mul3A_350 : i32 to index
      %swap3A_573 = tpu.vector_load %arg24[%swap3A_571, %swap3A_572] {strides = array<i32>} : memref<62x512xf32, #tpu.memory_space<vmem>>, vector<16xf32>,
      tpu.vector_store %arg24[%swap3A_571, %swap3A_572], %gather3A_560 {strides = array<i32>} : memref<62x512xf32, #tpu.memory_space<vmem>>, vector<16xf32>,
      %swap3A_574 = arith.constant 2 : i32
      %swap3A_575 = arith.index_cast %swap3A_574 : i32 to index
      %swap3A_576 = arith.index_cast %mul3A_350 : i32 to index
      %swap3A_577 = tpu.vector_load %arg24[%swap3A_575, %swap3A_576] {strides = array<i32>} : memref<62x512xf32, #tpu.memory_space<vmem>>, vector<16xf32>,
      tpu.vector_store %arg24[%swap3A_575, %swap3A_576], %gather3A_561 {strides = array<i32>} : memref<62x512xf32, #tpu.memory_space<vmem>>, vector<16xf32>,
      %swap3A_578 = arith.constant 3 : i32
      %swap3A_579 = arith.index_cast %swap3A_578 : i32 to index
      %swap3A_580 = arith.index_cast %mul3A_350 : i32 to index
      %swap3A_581 = tpu.vector_load %arg24[%swap3A_579, %swap3A_580] {strides = array<i32>} : memref<62x512xf32, #tpu.memory_space<vmem>>, vector<16xf32>,
      tpu.vector_store %arg24[%swap3A_579, %swap3A_580], %gather3A_562 {strides = array<i32>} : memref<62x512xf32, #tpu.memory_space<vmem>>, vector<16xf32>,
      %swap3A_582 = arith.constant 4 : i32
      %swap3A_583 = arith.index_cast %swap3A_582 : i32 to index
      %swap3A_584 = arith.index_cast %mul3A_350 : i32 to index
      %swap3A_585 = tpu.vector_load %arg24[%swap3A_583, %swap3A_584] {strides = array<i32>} : memref<62x512xf32, #tpu.memory_space<vmem>>, vector<16xf32>,
      tpu.vector_store %arg24[%swap3A_583, %swap3A_584], %gather3A_563 {strides = array<i32>} : memref<62x512xf32, #tpu.memory_space<vmem>>, vector<16xf32>,
      %swap3A_586 = arith.constant 5 : i32
      %swap3A_587 = arith.index_cast %swap3A_586 : i32 to index
      %swap3A_588 = arith.index_cast %mul3A_350 : i32 to index
      %swap3A_589 = tpu.vector_load %arg24[%swap3A_587, %swap3A_588] {strides = array<i32>} : memref<62x512xf32, #tpu.memory_space<vmem>>, vector<16xf32>,
      tpu.vector_store %arg24[%swap3A_587, %swap3A_588], %gather3A_564 {strides = array<i32>} : memref<62x512xf32, #tpu.memory_space<vmem>>, vector<16xf32>,
      %swap3A_590 = arith.constant 6 : i32
      %swap3A_591 = arith.index_cast %swap3A_590 : i32 to index
      %swap3A_592 = arith.index_cast %mul3A_350 : i32 to index
      %swap3A_593 = tpu.vector_load %arg24[%swap3A_591, %swap3A_592] {strides = array<i32>} : memref<62x512xf32, #tpu.memory_space<vmem>>, vector<16xf32>,
      tpu.vector_store %arg24[%swap3A_591, %swap3A_592], %gather3A_565 {strides = array<i32>} : memref<62x512xf32, #tpu.memory_space<vmem>>, vector<16xf32>,
      %swap3A_594 = arith.constant 7 : i32
      %swap3A_595 = arith.index_cast %swap3A_594 : i32 to index
      %swap3A_596 = arith.index_cast %mul3A_350 : i32 to index
      %swap3A_597 = tpu.vector_load %arg24[%swap3A_595, %swap3A_596] {strides = array<i32>} : memref<62x512xf32, #tpu.memory_space<vmem>>, vector<16xf32>,
      tpu.vector_store %arg24[%swap3A_595, %swap3A_596], %gather3A_566 {strides = array<i32>} : memref<62x512xf32, #tpu.memory_space<vmem>>, vector<16xf32>,
      %gather3A_598 = tpu.vector_load_idx %arg23[%add3A_400] : memref<10884xf32, #tpu.memory_space<vmem>>[vector<16xi32>], vector<16xf32>,
      %gather3A_599 = tpu.vector_load_idx %arg23[%add3A_403] : memref<10884xf32, #tpu.memory_space<vmem>>[vector<16xi32>], vector<16xf32>,
      %gather3A_600 = tpu.vector_load_idx %arg23[%add3A_406] : memref<10884xf32, #tpu.memory_space<vmem>>[vector<16xi32>], vector<16xf32>,
      %gather3A_601 = tpu.vector_load_idx %arg23[%add3A_409] : memref<10884xf32, #tpu.memory_space<vmem>>[vector<16xi32>], vector<16xf32>,
      %gather3A_602 = tpu.vector_load_idx %arg23[%add3A_412] : memref<10884xf32, #tpu.memory_space<vmem>>[vector<16xi32>], vector<16xf32>,
      %gather3A_603 = tpu.vector_load_idx %arg23[%add3A_415] : memref<10884xf32, #tpu.memory_space<vmem>>[vector<16xi32>], vector<16xf32>,
      %gather3A_604 = tpu.vector_load_idx %arg23[%add3A_418] : memref<10884xf32, #tpu.memory_space<vmem>>[vector<16xi32>], vector<16xf32>,
      %gather3A_605 = tpu.vector_load_idx %arg23[%add3A_421] : memref<10884xf32, #tpu.memory_space<vmem>>[vector<16xi32>], vector<16xf32>,
      %swap3A_606 = arith.constant 8 : i32
      %swap3A_607 = arith.index_cast %swap3A_606 : i32 to index
      %swap3A_608 = arith.index_cast %mul3A_350 : i32 to index
      %swap3A_609 = tpu.vector_load %arg24[%swap3A_607, %swap3A_608] {strides = array<i32>} : memref<62x512xf32, #tpu.memory_space<vmem>>, vector<16xf32>,
      tpu.vector_store %arg24[%swap3A_607, %swap3A_608], %gather3A_598 {strides = array<i32>} : memref<62x512xf32, #tpu.memory_space<vmem>>, vector<16xf32>,
      %swap3A_610 = arith.constant 9 : i32
      %swap3A_611 = arith.index_cast %swap3A_610 : i32 to index
      %swap3A_612 = arith.index_cast %mul3A_350 : i32 to index
      %swap3A_613 = tpu.vector_load %arg24[%swap3A_611, %swap3A_612] {strides = array<i32>} : memref<62x512xf32, #tpu.memory_space<vmem>>, vector<16xf32>,
      tpu.vector_store %arg24[%swap3A_611, %swap3A_612], %gather3A_599 {strides = array<i32>} : memref<62x512xf32, #tpu.memory_space<vmem>>, vector<16xf32>,
      %swap3A_614 = arith.constant 10 : i32
      %swap3A_615 = arith.index_cast %swap3A_614 : i32 to index
      %swap3A_616 = arith.index_cast %mul3A_350 : i32 to index
      %swap3A_617 = tpu.vector_load %arg24[%swap3A_615, %swap3A_616] {strides = array<i32>} : memref<62x512xf32, #tpu.memory_space<vmem>>, vector<16xf32>,
      tpu.vector_store %arg24[%swap3A_615, %swap3A_616], %gather3A_600 {strides = array<i32>} : memref<62x512xf32, #tpu.memory_space<vmem>>, vector<16xf32>,
      %swap3A_618 = arith.constant 11 : i32
      %swap3A_619 = arith.index_cast %swap3A_618 : i32 to index
      %swap3A_620 = arith.index_cast %mul3A_350 : i32 to index
      %swap3A_621 = tpu.vector_load %arg24[%swap3A_619, %swap3A_620] {strides = array<i32>} : memref<62x512xf32, #tpu.memory_space<vmem>>, vector<16xf32>,
      tpu.vector_store %arg24[%swap3A_619, %swap3A_620], %gather3A_601 {strides = array<i32>} : memref<62x512xf32, #tpu.memory_space<vmem>>, vector<16xf32>,
      %swap3A_622 = arith.constant 12 : i32
      %swap3A_623 = arith.index_cast %swap3A_622 : i32 to index
      %swap3A_624 = arith.index_cast %mul3A_350 : i32 to index
      %swap3A_625 = tpu.vector_load %arg24[%swap3A_623, %swap3A_624] {strides = array<i32>} : memref<62x512xf32, #tpu.memory_space<vmem>>, vector<16xf32>,
      tpu.vector_store %arg24[%swap3A_623, %swap3A_624], %gather3A_602 {strides = array<i32>} : memref<62x512xf32, #tpu.memory_space<vmem>>, vector<16xf32>,
      %swap3A_626 = arith.constant 13 : i32
      %swap3A_627 = arith.index_cast %swap3A_626 : i32 to index
      %swap3A_628 = arith.index_cast %mul3A_350 : i32 to index
      %swap3A_629 = tpu.vector_load %arg24[%swap3A_627, %swap3A_628] {strides = array<i32>} : memref<62x512xf32, #tpu.memory_space<vmem>>, vector<16xf32>,
      tpu.vector_store %arg24[%swap3A_627, %swap3A_628], %gather3A_603 {strides = array<i32>} : memref<62x512xf32, #tpu.memory_space<vmem>>, vector<16xf32>,
      %swap3A_630 = arith.constant 14 : i32
      %swap3A_631 = arith.index_cast %swap3A_630 : i32 to index
      %swap3A_632 = arith.index_cast %mul3A_350 : i32 to index
      %swap3A_633 = tpu.vector_load %arg24[%swap3A_631, %swap3A_632] {strides = array<i32>} : memref<62x512xf32, #tpu.memory_space<vmem>>, vector<16xf32>,
      tpu.vector_store %arg24[%swap3A_631, %swap3A_632], %gather3A_604 {strides = array<i32>} : memref<62x512xf32, #tpu.memory_space<vmem>>, vector<16xf32>,
      %swap3A_634 = arith.constant 15 : i32
      %swap3A_635 = arith.index_cast %swap3A_634 : i32 to index
      %swap3A_636 = arith.index_cast %mul3A_350 : i32 to index
      %swap3A_637 = tpu.vector_load %arg24[%swap3A_635, %swap3A_636] {strides = array<i32>} : memref<62x512xf32, #tpu.memory_space<vmem>>, vector<16xf32>,
      tpu.vector_store %arg24[%swap3A_635, %swap3A_636], %gather3A_605 {strides = array<i32>} : memref<62x512xf32, #tpu.memory_space<vmem>>, vector<16xf32>,
      %gather3A_638 = tpu.vector_load_idx %arg23[%add3A_424] : memref<10884xf32, #tpu.memory_space<vmem>>[vector<16xi32>], vector<16xf32>,
      %gather3A_639 = tpu.vector_load_idx %arg23[%add3A_427] : memref<10884xf32, #tpu.memory_space<vmem>>[vector<16xi32>], vector<16xf32>,
      %gather3A_640 = tpu.vector_load_idx %arg23[%add3A_430] : memref<10884xf32, #tpu.memory_space<vmem>>[vector<16xi32>], vector<16xf32>,
      %gather3A_641 = tpu.vector_load_idx %arg23[%add3A_433] : memref<10884xf32, #tpu.memory_space<vmem>>[vector<16xi32>], vector<16xf32>,
      %gather3A_642 = tpu.vector_load_idx %arg23[%add3A_436] : memref<10884xf32, #tpu.memory_space<vmem>>[vector<16xi32>], vector<16xf32>,
      %gather3A_643 = tpu.vector_load_idx %arg23[%add3A_439] : memref<10884xf32, #tpu.memory_space<vmem>>[vector<16xi32>], vector<16xf32>,
      %gather3A_644 = tpu.vector_load_idx %arg23[%add3A_442] : memref<10884xf32, #tpu.memory_space<vmem>>[vector<16xi32>], vector<16xf32>,
      %gather3A_645 = tpu.vector_load_idx %arg23[%add3A_445] : memref<10884xf32, #tpu.memory_space<vmem>>[vector<16xi32>], vector<16xf32>,
      %swap3A_646 = arith.constant 16 : i32
      %swap3A_647 = arith.index_cast %swap3A_646 : i32 to index
      %swap3A_648 = arith.index_cast %mul3A_350 : i32 to index
      %swap3A_649 = tpu.vector_load %arg24[%swap3A_647, %swap3A_648] {strides = array<i32>} : memref<62x512xf32, #tpu.memory_space<vmem>>, vector<16xf32>,
      tpu.vector_store %arg24[%swap3A_647, %swap3A_648], %gather3A_638 {strides = array<i32>} : memref<62x512xf32, #tpu.memory_space<vmem>>, vector<16xf32>,
      %swap3A_650 = arith.constant 17 : i32
      %swap3A_651 = arith.index_cast %swap3A_650 : i32 to index
      %swap3A_652 = arith.index_cast %mul3A_350 : i32 to index
      %swap3A_653 = tpu.vector_load %arg24[%swap3A_651, %swap3A_652] {strides = array<i32>} : memref<62x512xf32, #tpu.memory_space<vmem>>, vector<16xf32>,
      tpu.vector_store %arg24[%swap3A_651, %swap3A_652], %gather3A_639 {strides = array<i32>} : memref<62x512xf32, #tpu.memory_space<vmem>>, vector<16xf32>,
      %swap3A_654 = arith.constant 18 : i32
      %swap3A_655 = arith.index_cast %swap3A_654 : i32 to index
      %swap3A_656 = arith.index_cast %mul3A_350 : i32 to index
      %swap3A_657 = tpu.vector_load %arg24[%swap3A_655, %swap3A_656] {strides = array<i32>} : memref<62x512xf32, #tpu.memory_space<vmem>>, vector<16xf32>,
      tpu.vector_store %arg24[%swap3A_655, %swap3A_656], %gather3A_640 {strides = array<i32>} : memref<62x512xf32, #tpu.memory_space<vmem>>, vector<16xf32>,
      %swap3A_658 = arith.constant 19 : i32
      %swap3A_659 = arith.index_cast %swap3A_658 : i32 to index
      %swap3A_660 = arith.index_cast %mul3A_350 : i32 to index
      %swap3A_661 = tpu.vector_load %arg24[%swap3A_659, %swap3A_660] {strides = array<i32>} : memref<62x512xf32, #tpu.memory_space<vmem>>, vector<16xf32>,
      tpu.vector_store %arg24[%swap3A_659, %swap3A_660], %gather3A_641 {strides = array<i32>} : memref<62x512xf32, #tpu.memory_space<vmem>>, vector<16xf32>,
      %swap3A_662 = arith.constant 20 : i32
      %swap3A_663 = arith.index_cast %swap3A_662 : i32 to index
      %swap3A_664 = arith.index_cast %mul3A_350 : i32 to index
      %swap3A_665 = tpu.vector_load %arg24[%swap3A_663, %swap3A_664] {strides = array<i32>} : memref<62x512xf32, #tpu.memory_space<vmem>>, vector<16xf32>,
      tpu.vector_store %arg24[%swap3A_663, %swap3A_664], %gather3A_642 {strides = array<i32>} : memref<62x512xf32, #tpu.memory_space<vmem>>, vector<16xf32>,
      %swap3A_666 = arith.constant 21 : i32
      %swap3A_667 = arith.index_cast %swap3A_666 : i32 to index
      %swap3A_668 = arith.index_cast %mul3A_350 : i32 to index
      %swap3A_669 = tpu.vector_load %arg24[%swap3A_667, %swap3A_668] {strides = array<i32>} : memref<62x512xf32, #tpu.memory_space<vmem>>, vector<16xf32>,
      tpu.vector_store %arg24[%swap3A_667, %swap3A_668], %gather3A_643 {strides = array<i32>} : memref<62x512xf32, #tpu.memory_space<vmem>>, vector<16xf32>,
      %swap3A_670 = arith.constant 22 : i32
      %swap3A_671 = arith.index_cast %swap3A_670 : i32 to index
      %swap3A_672 = arith.index_cast %mul3A_350 : i32 to index
      %swap3A_673 = tpu.vector_load %arg24[%swap3A_671, %swap3A_672] {strides = array<i32>} : memref<62x512xf32, #tpu.memory_space<vmem>>, vector<16xf32>,
      tpu.vector_store %arg24[%swap3A_671, %swap3A_672], %gather3A_644 {strides = array<i32>} : memref<62x512xf32, #tpu.memory_space<vmem>>, vector<16xf32>,
      %swap3A_674 = arith.constant 23 : i32
      %swap3A_675 = arith.index_cast %swap3A_674 : i32 to index
      %swap3A_676 = arith.index_cast %mul3A_350 : i32 to index
      %swap3A_677 = tpu.vector_load %arg24[%swap3A_675, %swap3A_676] {strides = array<i32>} : memref<62x512xf32, #tpu.memory_space<vmem>>, vector<16xf32>,
      tpu.vector_store %arg24[%swap3A_675, %swap3A_676], %gather3A_645 {strides = array<i32>} : memref<62x512xf32, #tpu.memory_space<vmem>>, vector<16xf32>,
      %gather3A_678 = tpu.vector_load_idx %arg23[%add3A_448] : memref<10884xf32, #tpu.memory_space<vmem>>[vector<16xi32>], vector<16xf32>,
      %gather3A_679 = tpu.vector_load_idx %arg23[%add3A_451] : memref<10884xf32, #tpu.memory_space<vmem>>[vector<16xi32>], vector<16xf32>,
      %gather3A_680 = tpu.vector_load_idx %arg23[%add3A_454] : memref<10884xf32, #tpu.memory_space<vmem>>[vector<16xi32>], vector<16xf32>,
      %gather3A_681 = tpu.vector_load_idx %arg23[%add3A_457] : memref<10884xf32, #tpu.memory_space<vmem>>[vector<16xi32>], vector<16xf32>,
      %gather3A_682 = tpu.vector_load_idx %arg23[%add3A_460] : memref<10884xf32, #tpu.memory_space<vmem>>[vector<16xi32>], vector<16xf32>,
      %gather3A_683 = tpu.vector_load_idx %arg23[%add3A_463] : memref<10884xf32, #tpu.memory_space<vmem>>[vector<16xi32>], vector<16xf32>,
      %gather3A_684 = tpu.vector_load_idx %arg23[%add3A_466] : memref<10884xf32, #tpu.memory_space<vmem>>[vector<16xi32>], vector<16xf32>,
      %gather3A_685 = tpu.vector_load_idx %arg23[%add3A_469] : memref<10884xf32, #tpu.memory_space<vmem>>[vector<16xi32>], vector<16xf32>,
      %swap3A_686 = arith.constant 24 : i32
      %swap3A_687 = arith.index_cast %swap3A_686 : i32 to index
      %swap3A_688 = arith.index_cast %mul3A_350 : i32 to index
      %swap3A_689 = tpu.vector_load %arg24[%swap3A_687, %swap3A_688] {strides = array<i32>} : memref<62x512xf32, #tpu.memory_space<vmem>>, vector<16xf32>,
      tpu.vector_store %arg24[%swap3A_687, %swap3A_688], %gather3A_678 {strides = array<i32>} : memref<62x512xf32, #tpu.memory_space<vmem>>, vector<16xf32>,
      %swap3A_690 = arith.constant 25 : i32
      %swap3A_691 = arith.index_cast %swap3A_690 : i32 to index
      %swap3A_692 = arith.index_cast %mul3A_350 : i32 to index
      %swap3A_693 = tpu.vector_load %arg24[%swap3A_691, %swap3A_692] {strides = array<i32>} : memref<62x512xf32, #tpu.memory_space<vmem>>, vector<16xf32>,
      tpu.vector_store %arg24[%swap3A_691, %swap3A_692], %gather3A_679 {strides = array<i32>} : memref<62x512xf32, #tpu.memory_space<vmem>>, vector<16xf32>,
      %swap3A_694 = arith.constant 26 : i32
      %swap3A_695 = arith.index_cast %swap3A_694 : i32 to index
      %swap3A_696 = arith.index_cast %mul3A_350 : i32 to index
      %swap3A_697 = tpu.vector_load %arg24[%swap3A_695, %swap3A_696] {strides = array<i32>} : memref<62x512xf32, #tpu.memory_space<vmem>>, vector<16xf32>,
      tpu.vector_store %arg24[%swap3A_695, %swap3A_696], %gather3A_680 {strides = array<i32>} : memref<62x512xf32, #tpu.memory_space<vmem>>, vector<16xf32>,
      %swap3A_698 = arith.constant 27 : i32
      %swap3A_699 = arith.index_cast %swap3A_698 : i32 to index
      %swap3A_700 = arith.index_cast %mul3A_350 : i32 to index
      %swap3A_701 = tpu.vector_load %arg24[%swap3A_699, %swap3A_700] {strides = array<i32>} : memref<62x512xf32, #tpu.memory_space<vmem>>, vector<16xf32>,
      tpu.vector_store %arg24[%swap3A_699, %swap3A_700], %gather3A_681 {strides = array<i32>} : memref<62x512xf32, #tpu.memory_space<vmem>>, vector<16xf32>,
      %swap3A_702 = arith.constant 28 : i32
      %swap3A_703 = arith.index_cast %swap3A_702 : i32 to index
      %swap3A_704 = arith.index_cast %mul3A_350 : i32 to index
      %swap3A_705 = tpu.vector_load %arg24[%swap3A_703, %swap3A_704] {strides = array<i32>} : memref<62x512xf32, #tpu.memory_space<vmem>>, vector<16xf32>,
      tpu.vector_store %arg24[%swap3A_703, %swap3A_704], %gather3A_682 {strides = array<i32>} : memref<62x512xf32, #tpu.memory_space<vmem>>, vector<16xf32>,
      %swap3A_706 = arith.constant 29 : i32
      %swap3A_707 = arith.index_cast %swap3A_706 : i32 to index
      %swap3A_708 = arith.index_cast %mul3A_350 : i32 to index
      %swap3A_709 = tpu.vector_load %arg24[%swap3A_707, %swap3A_708] {strides = array<i32>} : memref<62x512xf32, #tpu.memory_space<vmem>>, vector<16xf32>,
      tpu.vector_store %arg24[%swap3A_707, %swap3A_708], %gather3A_683 {strides = array<i32>} : memref<62x512xf32, #tpu.memory_space<vmem>>, vector<16xf32>,
      %swap3A_710 = arith.constant 30 : i32
      %swap3A_711 = arith.index_cast %swap3A_710 : i32 to index
      %swap3A_712 = arith.index_cast %mul3A_350 : i32 to index
      %swap3A_713 = tpu.vector_load %arg24[%swap3A_711, %swap3A_712] {strides = array<i32>} : memref<62x512xf32, #tpu.memory_space<vmem>>, vector<16xf32>,
      tpu.vector_store %arg24[%swap3A_711, %swap3A_712], %gather3A_684 {strides = array<i32>} : memref<62x512xf32, #tpu.memory_space<vmem>>, vector<16xf32>,
      %swap3A_714 = arith.constant 31 : i32
      %swap3A_715 = arith.index_cast %swap3A_714 : i32 to index
      %swap3A_716 = arith.index_cast %mul3A_350 : i32 to index
      %swap3A_717 = tpu.vector_load %arg24[%swap3A_715, %swap3A_716] {strides = array<i32>} : memref<62x512xf32, #tpu.memory_space<vmem>>, vector<16xf32>,
      tpu.vector_store %arg24[%swap3A_715, %swap3A_716], %gather3A_685 {strides = array<i32>} : memref<62x512xf32, #tpu.memory_space<vmem>>, vector<16xf32>,
      %gather3A_718 = tpu.vector_load_idx %arg23[%add3A_472] : memref<10884xf32, #tpu.memory_space<vmem>>[vector<16xi32>], vector<16xf32>,
      %gather3A_719 = tpu.vector_load_idx %arg23[%add3A_475] : memref<10884xf32, #tpu.memory_space<vmem>>[vector<16xi32>], vector<16xf32>,
      %gather3A_720 = tpu.vector_load_idx %arg23[%add3A_478] : memref<10884xf32, #tpu.memory_space<vmem>>[vector<16xi32>], vector<16xf32>,
      %gather3A_721 = tpu.vector_load_idx %arg23[%add3A_481] : memref<10884xf32, #tpu.memory_space<vmem>>[vector<16xi32>], vector<16xf32>,
      %gather3A_722 = tpu.vector_load_idx %arg23[%add3A_484] : memref<10884xf32, #tpu.memory_space<vmem>>[vector<16xi32>], vector<16xf32>,
      %gather3A_723 = tpu.vector_load_idx %arg23[%add3A_487] : memref<10884xf32, #tpu.memory_space<vmem>>[vector<16xi32>], vector<16xf32>,
      %gather3A_724 = tpu.vector_load_idx %arg23[%add3A_490] : memref<10884xf32, #tpu.memory_space<vmem>>[vector<16xi32>], vector<16xf32>,
      %gather3A_725 = tpu.vector_load_idx %arg23[%add3A_493] : memref<10884xf32, #tpu.memory_space<vmem>>[vector<16xi32>], vector<16xf32>,
      %swap3A_726 = arith.constant 32 : i32
      %swap3A_727 = arith.index_cast %swap3A_726 : i32 to index
      %swap3A_728 = arith.index_cast %mul3A_350 : i32 to index
      %swap3A_729 = tpu.vector_load %arg24[%swap3A_727, %swap3A_728] {strides = array<i32>} : memref<62x512xf32, #tpu.memory_space<vmem>>, vector<16xf32>,
      tpu.vector_store %arg24[%swap3A_727, %swap3A_728], %gather3A_718 {strides = array<i32>} : memref<62x512xf32, #tpu.memory_space<vmem>>, vector<16xf32>,
      %swap3A_730 = arith.constant 33 : i32
      %swap3A_731 = arith.index_cast %swap3A_730 : i32 to index
      %swap3A_732 = arith.index_cast %mul3A_350 : i32 to index
      %swap3A_733 = tpu.vector_load %arg24[%swap3A_731, %swap3A_732] {strides = array<i32>} : memref<62x512xf32, #tpu.memory_space<vmem>>, vector<16xf32>,
      tpu.vector_store %arg24[%swap3A_731, %swap3A_732], %gather3A_719 {strides = array<i32>} : memref<62x512xf32, #tpu.memory_space<vmem>>, vector<16xf32>,
      %swap3A_734 = arith.constant 34 : i32
      %swap3A_735 = arith.index_cast %swap3A_734 : i32 to index
      %swap3A_736 = arith.index_cast %mul3A_350 : i32 to index
      %swap3A_737 = tpu.vector_load %arg24[%swap3A_735, %swap3A_736] {strides = array<i32>} : memref<62x512xf32, #tpu.memory_space<vmem>>, vector<16xf32>,
      tpu.vector_store %arg24[%swap3A_735, %swap3A_736], %gather3A_720 {strides = array<i32>} : memref<62x512xf32, #tpu.memory_space<vmem>>, vector<16xf32>,
      %swap3A_738 = arith.constant 35 : i32
      %swap3A_739 = arith.index_cast %swap3A_738 : i32 to index
      %swap3A_740 = arith.index_cast %mul3A_350 : i32 to index
      %swap3A_741 = tpu.vector_load %arg24[%swap3A_739, %swap3A_740] {strides = array<i32>} : memref<62x512xf32, #tpu.memory_space<vmem>>, vector<16xf32>,
      tpu.vector_store %arg24[%swap3A_739, %swap3A_740], %gather3A_721 {strides = array<i32>} : memref<62x512xf32, #tpu.memory_space<vmem>>, vector<16xf32>,
      %swap3A_742 = arith.constant 36 : i32
      %swap3A_743 = arith.index_cast %swap3A_742 : i32 to index
      %swap3A_744 = arith.index_cast %mul3A_350 : i32 to index
      %swap3A_745 = tpu.vector_load %arg24[%swap3A_743, %swap3A_744] {strides = array<i32>} : memref<62x512xf32, #tpu.memory_space<vmem>>, vector<16xf32>,
      tpu.vector_store %arg24[%swap3A_743, %swap3A_744], %gather3A_722 {strides = array<i32>} : memref<62x512xf32, #tpu.memory_space<vmem>>, vector<16xf32>,
      %swap3A_746 = arith.constant 37 : i32
      %swap3A_747 = arith.index_cast %swap3A_746 : i32 to index
      %swap3A_748 = arith.index_cast %mul3A_350 : i32 to index
      %swap3A_749 = tpu.vector_load %arg24[%swap3A_747, %swap3A_748] {strides = array<i32>} : memref<62x512xf32, #tpu.memory_space<vmem>>, vector<16xf32>,
      tpu.vector_store %arg24[%swap3A_747, %swap3A_748], %gather3A_723 {strides = array<i32>} : memref<62x512xf32, #tpu.memory_space<vmem>>, vector<16xf32>,
      %swap3A_750 = arith.constant 38 : i32
      %swap3A_751 = arith.index_cast %swap3A_750 : i32 to index
      %swap3A_752 = arith.index_cast %mul3A_350 : i32 to index
      %swap3A_753 = tpu.vector_load %arg24[%swap3A_751, %swap3A_752] {strides = array<i32>} : memref<62x512xf32, #tpu.memory_space<vmem>>, vector<16xf32>,
      tpu.vector_store %arg24[%swap3A_751, %swap3A_752], %gather3A_724 {strides = array<i32>} : memref<62x512xf32, #tpu.memory_space<vmem>>, vector<16xf32>,
      %swap3A_754 = arith.constant 39 : i32
      %swap3A_755 = arith.index_cast %swap3A_754 : i32 to index
      %swap3A_756 = arith.index_cast %mul3A_350 : i32 to index
      %swap3A_757 = tpu.vector_load %arg24[%swap3A_755, %swap3A_756] {strides = array<i32>} : memref<62x512xf32, #tpu.memory_space<vmem>>, vector<16xf32>,
      tpu.vector_store %arg24[%swap3A_755, %swap3A_756], %gather3A_725 {strides = array<i32>} : memref<62x512xf32, #tpu.memory_space<vmem>>, vector<16xf32>,
      %gather3A_758 = tpu.vector_load_idx %arg23[%add3A_496] : memref<10884xf32, #tpu.memory_space<vmem>>[vector<16xi32>], vector<16xf32>,
      %gather3A_759 = tpu.vector_load_idx %arg23[%add3A_499] : memref<10884xf32, #tpu.memory_space<vmem>>[vector<16xi32>], vector<16xf32>,
      %gather3A_760 = tpu.vector_load_idx %arg23[%add3A_502] : memref<10884xf32, #tpu.memory_space<vmem>>[vector<16xi32>], vector<16xf32>,
      %gather3A_761 = tpu.vector_load_idx %arg23[%add3A_505] : memref<10884xf32, #tpu.memory_space<vmem>>[vector<16xi32>], vector<16xf32>,
      %gather3A_762 = tpu.vector_load_idx %arg23[%add3A_508] : memref<10884xf32, #tpu.memory_space<vmem>>[vector<16xi32>], vector<16xf32>,
      %gather3A_763 = tpu.vector_load_idx %arg23[%add3A_511] : memref<10884xf32, #tpu.memory_space<vmem>>[vector<16xi32>], vector<16xf32>,
      %gather3A_764 = tpu.vector_load_idx %arg23[%add3A_514] : memref<10884xf32, #tpu.memory_space<vmem>>[vector<16xi32>], vector<16xf32>,
      %gather3A_765 = tpu.vector_load_idx %arg23[%add3A_517] : memref<10884xf32, #tpu.memory_space<vmem>>[vector<16xi32>], vector<16xf32>,
      %swap3A_766 = arith.constant 40 : i32
      %swap3A_767 = arith.index_cast %swap3A_766 : i32 to index
      %swap3A_768 = arith.index_cast %mul3A_350 : i32 to index
      %swap3A_769 = tpu.vector_load %arg24[%swap3A_767, %swap3A_768] {strides = array<i32>} : memref<62x512xf32, #tpu.memory_space<vmem>>, vector<16xf32>,
      tpu.vector_store %arg24[%swap3A_767, %swap3A_768], %gather3A_758 {strides = array<i32>} : memref<62x512xf32, #tpu.memory_space<vmem>>, vector<16xf32>,
      %swap3A_770 = arith.constant 41 : i32
      %swap3A_771 = arith.index_cast %swap3A_770 : i32 to index
      %swap3A_772 = arith.index_cast %mul3A_350 : i32 to index
      %swap3A_773 = tpu.vector_load %arg24[%swap3A_771, %swap3A_772] {strides = array<i32>} : memref<62x512xf32, #tpu.memory_space<vmem>>, vector<16xf32>,
      tpu.vector_store %arg24[%swap3A_771, %swap3A_772], %gather3A_759 {strides = array<i32>} : memref<62x512xf32, #tpu.memory_space<vmem>>, vector<16xf32>,
      %swap3A_774 = arith.constant 42 : i32
      %swap3A_775 = arith.index_cast %swap3A_774 : i32 to index
      %swap3A_776 = arith.index_cast %mul3A_350 : i32 to index
      %swap3A_777 = tpu.vector_load %arg24[%swap3A_775, %swap3A_776] {strides = array<i32>} : memref<62x512xf32, #tpu.memory_space<vmem>>, vector<16xf32>,
      tpu.vector_store %arg24[%swap3A_775, %swap3A_776], %gather3A_760 {strides = array<i32>} : memref<62x512xf32, #tpu.memory_space<vmem>>, vector<16xf32>,
      %swap3A_778 = arith.constant 43 : i32
      %swap3A_779 = arith.index_cast %swap3A_778 : i32 to index
      %swap3A_780 = arith.index_cast %mul3A_350 : i32 to index
      %swap3A_781 = tpu.vector_load %arg24[%swap3A_779, %swap3A_780] {strides = array<i32>} : memref<62x512xf32, #tpu.memory_space<vmem>>, vector<16xf32>,
      tpu.vector_store %arg24[%swap3A_779, %swap3A_780], %gather3A_761 {strides = array<i32>} : memref<62x512xf32, #tpu.memory_space<vmem>>, vector<16xf32>,
      %swap3A_782 = arith.constant 44 : i32
      %swap3A_783 = arith.index_cast %swap3A_782 : i32 to index
      %swap3A_784 = arith.index_cast %mul3A_350 : i32 to index
      %swap3A_785 = tpu.vector_load %arg24[%swap3A_783, %swap3A_784] {strides = array<i32>} : memref<62x512xf32, #tpu.memory_space<vmem>>, vector<16xf32>,
      tpu.vector_store %arg24[%swap3A_783, %swap3A_784], %gather3A_762 {strides = array<i32>} : memref<62x512xf32, #tpu.memory_space<vmem>>, vector<16xf32>,
      %swap3A_786 = arith.constant 45 : i32
      %swap3A_787 = arith.index_cast %swap3A_786 : i32 to index
      %swap3A_788 = arith.index_cast %mul3A_350 : i32 to index
      %swap3A_789 = tpu.vector_load %arg24[%swap3A_787, %swap3A_788] {strides = array<i32>} : memref<62x512xf32, #tpu.memory_space<vmem>>, vector<16xf32>,
      tpu.vector_store %arg24[%swap3A_787, %swap3A_788], %gather3A_763 {strides = array<i32>} : memref<62x512xf32, #tpu.memory_space<vmem>>, vector<16xf32>,
      %swap3A_790 = arith.constant 46 : i32
      %swap3A_791 = arith.index_cast %swap3A_790 : i32 to index
      %swap3A_792 = arith.index_cast %mul3A_350 : i32 to index
      %swap3A_793 = tpu.vector_load %arg24[%swap3A_791, %swap3A_792] {strides = array<i32>} : memref<62x512xf32, #tpu.memory_space<vmem>>, vector<16xf32>,
      tpu.vector_store %arg24[%swap3A_791, %swap3A_792], %gather3A_764 {strides = array<i32>} : memref<62x512xf32, #tpu.memory_space<vmem>>, vector<16xf32>,
      %swap3A_794 = arith.constant 47 : i32
      %swap3A_795 = arith.index_cast %swap3A_794 : i32 to index
      %swap3A_796 = arith.index_cast %mul3A_350 : i32 to index
      %swap3A_797 = tpu.vector_load %arg24[%swap3A_795, %swap3A_796] {strides = array<i32>} : memref<62x512xf32, #tpu.memory_space<vmem>>, vector<16xf32>,
      tpu.vector_store %arg24[%swap3A_795, %swap3A_796], %gather3A_765 {strides = array<i32>} : memref<62x512xf32, #tpu.memory_space<vmem>>, vector<16xf32>,
      %gather3A_798 = tpu.vector_load_idx %arg23[%add3A_520] : memref<10884xf32, #tpu.memory_space<vmem>>[vector<16xi32>], vector<16xf32>,
      %gather3A_799 = tpu.vector_load_idx %arg23[%add3A_523] : memref<10884xf32, #tpu.memory_space<vmem>>[vector<16xi32>], vector<16xf32>,
      %gather3A_800 = tpu.vector_load_idx %arg23[%add3A_526] : memref<10884xf32, #tpu.memory_space<vmem>>[vector<16xi32>], vector<16xf32>,
      %gather3A_801 = tpu.vector_load_idx %arg23[%add3A_529] : memref<10884xf32, #tpu.memory_space<vmem>>[vector<16xi32>], vector<16xf32>,
      %gather3A_802 = tpu.vector_load_idx %arg23[%add3A_532] : memref<10884xf32, #tpu.memory_space<vmem>>[vector<16xi32>], vector<16xf32>,
      %gather3A_803 = tpu.vector_load_idx %arg23[%add3A_535] : memref<10884xf32, #tpu.memory_space<vmem>>[vector<16xi32>], vector<16xf32>,
      %gather3A_804 = tpu.vector_load_idx %arg23[%add3A_538] : memref<10884xf32, #tpu.memory_space<vmem>>[vector<16xi32>], vector<16xf32>,
      %gather3A_805 = tpu.vector_load_idx %arg23[%add3A_541] : memref<10884xf32, #tpu.memory_space<vmem>>[vector<16xi32>], vector<16xf32>,
      %swap3A_806 = arith.constant 48 : i32
      %swap3A_807 = arith.index_cast %swap3A_806 : i32 to index
      %swap3A_808 = arith.index_cast %mul3A_350 : i32 to index
      %swap3A_809 = tpu.vector_load %arg24[%swap3A_807, %swap3A_808] {strides = array<i32>} : memref<62x512xf32, #tpu.memory_space<vmem>>, vector<16xf32>,
      tpu.vector_store %arg24[%swap3A_807, %swap3A_808], %gather3A_798 {strides = array<i32>} : memref<62x512xf32, #tpu.memory_space<vmem>>, vector<16xf32>,
      %swap3A_810 = arith.constant 49 : i32
      %swap3A_811 = arith.index_cast %swap3A_810 : i32 to index
      %swap3A_812 = arith.index_cast %mul3A_350 : i32 to index
      %swap3A_813 = tpu.vector_load %arg24[%swap3A_811, %swap3A_812] {strides = array<i32>} : memref<62x512xf32, #tpu.memory_space<vmem>>, vector<16xf32>,
      tpu.vector_store %arg24[%swap3A_811, %swap3A_812], %gather3A_799 {strides = array<i32>} : memref<62x512xf32, #tpu.memory_space<vmem>>, vector<16xf32>,
      %swap3A_814 = arith.constant 50 : i32
      %swap3A_815 = arith.index_cast %swap3A_814 : i32 to index
      %swap3A_816 = arith.index_cast %mul3A_350 : i32 to index
      %swap3A_817 = tpu.vector_load %arg24[%swap3A_815, %swap3A_816] {strides = array<i32>} : memref<62x512xf32, #tpu.memory_space<vmem>>, vector<16xf32>,
      tpu.vector_store %arg24[%swap3A_815, %swap3A_816], %gather3A_800 {strides = array<i32>} : memref<62x512xf32, #tpu.memory_space<vmem>>, vector<16xf32>,
      %swap3A_818 = arith.constant 51 : i32
      %swap3A_819 = arith.index_cast %swap3A_818 : i32 to index
      %swap3A_820 = arith.index_cast %mul3A_350 : i32 to index
      %swap3A_821 = tpu.vector_load %arg24[%swap3A_819, %swap3A_820] {strides = array<i32>} : memref<62x512xf32, #tpu.memory_space<vmem>>, vector<16xf32>,
      tpu.vector_store %arg24[%swap3A_819, %swap3A_820], %gather3A_801 {strides = array<i32>} : memref<62x512xf32, #tpu.memory_space<vmem>>, vector<16xf32>,
      %swap3A_822 = arith.constant 52 : i32
      %swap3A_823 = arith.index_cast %swap3A_822 : i32 to index
      %swap3A_824 = arith.index_cast %mul3A_350 : i32 to index
      %swap3A_825 = tpu.vector_load %arg24[%swap3A_823, %swap3A_824] {strides = array<i32>} : memref<62x512xf32, #tpu.memory_space<vmem>>, vector<16xf32>,
      tpu.vector_store %arg24[%swap3A_823, %swap3A_824], %gather3A_802 {strides = array<i32>} : memref<62x512xf32, #tpu.memory_space<vmem>>, vector<16xf32>,
      %swap3A_826 = arith.constant 53 : i32
      %swap3A_827 = arith.index_cast %swap3A_826 : i32 to index
      %swap3A_828 = arith.index_cast %mul3A_350 : i32 to index
      %swap3A_829 = tpu.vector_load %arg24[%swap3A_827, %swap3A_828] {strides = array<i32>} : memref<62x512xf32, #tpu.memory_space<vmem>>, vector<16xf32>,
      tpu.vector_store %arg24[%swap3A_827, %swap3A_828], %gather3A_803 {strides = array<i32>} : memref<62x512xf32, #tpu.memory_space<vmem>>, vector<16xf32>,
      %swap3A_830 = arith.constant 54 : i32
      %swap3A_831 = arith.index_cast %swap3A_830 : i32 to index
      %swap3A_832 = arith.index_cast %mul3A_350 : i32 to index
      %swap3A_833 = tpu.vector_load %arg24[%swap3A_831, %swap3A_832] {strides = array<i32>} : memref<62x512xf32, #tpu.memory_space<vmem>>, vector<16xf32>,
      tpu.vector_store %arg24[%swap3A_831, %swap3A_832], %gather3A_804 {strides = array<i32>} : memref<62x512xf32, #tpu.memory_space<vmem>>, vector<16xf32>,
      %swap3A_834 = arith.constant 55 : i32
      %swap3A_835 = arith.index_cast %swap3A_834 : i32 to index
      %swap3A_836 = arith.index_cast %mul3A_350 : i32 to index
      %swap3A_837 = tpu.vector_load %arg24[%swap3A_835, %swap3A_836] {strides = array<i32>} : memref<62x512xf32, #tpu.memory_space<vmem>>, vector<16xf32>,
      tpu.vector_store %arg24[%swap3A_835, %swap3A_836], %gather3A_805 {strides = array<i32>} : memref<62x512xf32, #tpu.memory_space<vmem>>, vector<16xf32>,
      %gather3A_838 = tpu.vector_load_idx %arg23[%add3A_544] : memref<10884xf32, #tpu.memory_space<vmem>>[vector<16xi32>], vector<16xf32>,
      %gather3A_839 = tpu.vector_load_idx %arg23[%add3A_547] : memref<10884xf32, #tpu.memory_space<vmem>>[vector<16xi32>], vector<16xf32>,
      %gather3A_840 = tpu.vector_load_idx %arg23[%add3A_550] : memref<10884xf32, #tpu.memory_space<vmem>>[vector<16xi32>], vector<16xf32>,
      %gather3A_841 = tpu.vector_load_idx %arg23[%add3A_553] : memref<10884xf32, #tpu.memory_space<vmem>>[vector<16xi32>], vector<16xf32>,
      %gather3A_842 = tpu.vector_load_idx %arg23[%add3A_556] : memref<10884xf32, #tpu.memory_space<vmem>>[vector<16xi32>], vector<16xf32>,
      %gather3A_843 = tpu.vector_load_idx %arg23[%add3A_559] : memref<10884xf32, #tpu.memory_space<vmem>>[vector<16xi32>], vector<16xf32>,
      %swap3A_844 = arith.constant 56 : i32
      %swap3A_845 = arith.index_cast %swap3A_844 : i32 to index
      %swap3A_846 = arith.index_cast %mul3A_350 : i32 to index
      %swap3A_847 = tpu.vector_load %arg24[%swap3A_845, %swap3A_846] {strides = array<i32>} : memref<62x512xf32, #tpu.memory_space<vmem>>, vector<16xf32>,
      tpu.vector_store %arg24[%swap3A_845, %swap3A_846], %gather3A_838 {strides = array<i32>} : memref<62x512xf32, #tpu.memory_space<vmem>>, vector<16xf32>,
      %swap3A_848 = arith.constant 57 : i32
      %swap3A_849 = arith.index_cast %swap3A_848 : i32 to index
      %swap3A_850 = arith.index_cast %mul3A_350 : i32 to index
      %swap3A_851 = tpu.vector_load %arg24[%swap3A_849, %swap3A_850] {strides = array<i32>} : memref<62x512xf32, #tpu.memory_space<vmem>>, vector<16xf32>,
      tpu.vector_store %arg24[%swap3A_849, %swap3A_850], %gather3A_839 {strides = array<i32>} : memref<62x512xf32, #tpu.memory_space<vmem>>, vector<16xf32>,
      %swap3A_852 = arith.constant 58 : i32
      %swap3A_853 = arith.index_cast %swap3A_852 : i32 to index
      %swap3A_854 = arith.index_cast %mul3A_350 : i32 to index
      %swap3A_855 = tpu.vector_load %arg24[%swap3A_853, %swap3A_854] {strides = array<i32>} : memref<62x512xf32, #tpu.memory_space<vmem>>, vector<16xf32>,
      tpu.vector_store %arg24[%swap3A_853, %swap3A_854], %gather3A_840 {strides = array<i32>} : memref<62x512xf32, #tpu.memory_space<vmem>>, vector<16xf32>,
      %swap3A_856 = arith.constant 59 : i32
      %swap3A_857 = arith.index_cast %swap3A_856 : i32 to index
      %swap3A_858 = arith.index_cast %mul3A_350 : i32 to index
      %swap3A_859 = tpu.vector_load %arg24[%swap3A_857, %swap3A_858] {strides = array<i32>} : memref<62x512xf32, #tpu.memory_space<vmem>>, vector<16xf32>,
      tpu.vector_store %arg24[%swap3A_857, %swap3A_858], %gather3A_841 {strides = array<i32>} : memref<62x512xf32, #tpu.memory_space<vmem>>, vector<16xf32>,
      %swap3A_860 = arith.constant 60 : i32
      %swap3A_861 = arith.index_cast %swap3A_860 : i32 to index
      %swap3A_862 = arith.index_cast %mul3A_350 : i32 to index
      %swap3A_863 = tpu.vector_load %arg24[%swap3A_861, %swap3A_862] {strides = array<i32>} : memref<62x512xf32, #tpu.memory_space<vmem>>, vector<16xf32>,
      tpu.vector_store %arg24[%swap3A_861, %swap3A_862], %gather3A_842 {strides = array<i32>} : memref<62x512xf32, #tpu.memory_space<vmem>>, vector<16xf32>,
      %swap3A_864 = arith.constant 61 : i32
      %swap3A_865 = arith.index_cast %swap3A_864 : i32 to index
      %swap3A_866 = arith.index_cast %mul3A_350 : i32 to index
      %swap3A_867 = tpu.vector_load %arg24[%swap3A_865, %swap3A_866] {strides = array<i32>} : memref<62x512xf32, #tpu.memory_space<vmem>>, vector<16xf32>,
      tpu.vector_store %arg24[%swap3A_865, %swap3A_866], %gather3A_843 {strides = array<i32>} : memref<62x512xf32, #tpu.memory_space<vmem>>, vector<16xf32>,
    }
    %scan3A_65 = arith.constant 32 : i32
    %dma_start3A_66 = arith.constant 0 : i32
    %dma_start3A_67 = tpu.memref_slice %arg11[%dma_start3A_66, %mul3A_2] : memref<62x16384xf32, #tpu.memory_space<hbm>> -> memref<62x512xf32, #tpu.memory_space<hbm>>
    %dma_start3A_68 = arith.constant 0 : i32
    %dma_start3A_69 = tpu.memref_slice %arg11[%dma_start3A_68, %mul3A_2] : memref<62x16384xf32, #tpu.memory_space<hbm>> -> memref<62x512xf32, #tpu.memory_space<hbm>>
    tpu.enqueue_dma source(%arg24 : memref<62x512xf32, #tpu.memory_space<vmem>>) target(%dma_start3A_69 : memref<62x512xf32, #tpu.memory_space<hbm>>) target_semaphore(%arg26 : memref<!tpu.dma_semaphore, #tpu.memory_space<semaphore_mem>>)
    %dma_wait3A_70 = arith.constant 0 : i32
    %dma_wait3A_71 = tpu.memref_slice %arg12[%dma_wait3A_70] : memref<512xi32, #tpu.memory_space<vmem>> -> memref<64xi32, #tpu.memory_space<vmem>>
    %dma_wait3A_72 = arith.constant 0 : i32
    %dma_wait3A_73 = arith.constant 0 : i32
    %dma_wait3A_74 = tpu.memref_slice %arg7[%dma_wait3A_72, %dma_wait3A_73] : memref<1000001x128xf32, #tpu.memory_space<hbm>> -> memref<1000001x128xf32, #tpu.memory_space<hbm>>
    tpu.wait_indirect_dma semaphore(%arg27 : memref<!tpu.dma_semaphore, #tpu.memory_space<semaphore_mem>>) src(%dma_wait3A_74 : memref<1000001x128xf32, #tpu.memory_space<hbm>>) dst(%arg17 : memref<64x128xf32, #tpu.memory_space<vmem>>)
    %dma_wait3A_75 = arith.constant 0 : i32
    %dma_wait3A_76 = tpu.memref_slice %arg13[%dma_wait3A_75] : memref<512xi32, #tpu.memory_space<vmem>> -> memref<64xi32, #tpu.memory_space<vmem>>
    %dma_wait3A_77 = arith.constant 0 : i32
    %dma_wait3A_78 = arith.constant 0 : i32
    %dma_wait3A_79 = tpu.memref_slice %arg8[%dma_wait3A_77, %dma_wait3A_78] : memref<100001x128xf32, #tpu.memory_space<hbm>> -> memref<100001x128xf32, #tpu.memory_space<hbm>>
    tpu.wait_indirect_dma semaphore(%arg27 : memref<!tpu.dma_semaphore, #tpu.memory_space<semaphore_mem>>) src(%dma_wait3A_79 : memref<100001x128xf32, #tpu.memory_space<hbm>>) dst(%arg20 : memref<64x128xf32, #tpu.memory_space<vmem>>)
    %add3A_80 = arith.constant 0 : i32
    %add3A_81 = arith.addi %mul3A_2, %add3A_80 : i32
    %dma_start3A_82 = arith.constant 0 : i32
    %dma_start3A_83 = tpu.memref_slice %arg10[%add3A_81, %dma_start3A_82] : memref<16384x256xf32, #tpu.memory_space<hbm>> -> memref<64x128xf32, #tpu.memory_space<hbm>>
    %dma_start3A_84 = arith.constant 0 : i32
    %dma_start3A_85 = tpu.memref_slice %arg10[%add3A_81, %dma_start3A_84] : memref<16384x256xf32, #tpu.memory_space<hbm>> -> memref<64x128xf32, #tpu.memory_space<hbm>>
    tpu.enqueue_dma source(%arg17 : memref<64x128xf32, #tpu.memory_space<vmem>>) target(%dma_start3A_85 : memref<64x128xf32, #tpu.memory_space<hbm>>) target_semaphore(%arg30 : memref<!tpu.dma_semaphore, #tpu.memory_space<semaphore_mem>>)
    %dma_start3A_86 = arith.constant 128 : i32
    %dma_start3A_87 = tpu.memref_slice %arg10[%add3A_81, %dma_start3A_86] : memref<16384x256xf32, #tpu.memory_space<hbm>> -> memref<64x128xf32, #tpu.memory_space<hbm>>
    %dma_start3A_88 = arith.constant 128 : i32
    %dma_start3A_89 = tpu.memref_slice %arg10[%add3A_81, %dma_start3A_88] : memref<16384x256xf32, #tpu.memory_space<hbm>> -> memref<64x128xf32, #tpu.memory_space<hbm>>
    tpu.enqueue_dma source(%arg20 : memref<64x128xf32, #tpu.memory_space<vmem>>) target(%dma_start3A_89 : memref<64x128xf32, #tpu.memory_space<hbm>>) target_semaphore(%arg30 : memref<!tpu.dma_semaphore, #tpu.memory_space<semaphore_mem>>)
    %dma_wait3A_90 = arith.constant 0 : i32
    %dma_wait3A_91 = tpu.memref_slice %arg10[%add3A_81, %dma_wait3A_90] : memref<16384x256xf32, #tpu.memory_space<hbm>> -> memref<64x128xf32, #tpu.memory_space<hbm>>
    %dma_wait3A_92 = arith.constant 0 : i32
    %dma_wait3A_93 = tpu.memref_slice %arg10[%add3A_81, %dma_wait3A_92] : memref<16384x256xf32, #tpu.memory_space<hbm>> -> memref<64x128xf32, #tpu.memory_space<hbm>>
    tpu.wait_dma2 semaphore(%arg30 : memref<!tpu.dma_semaphore, #tpu.memory_space<semaphore_mem>>) src(%arg17 : memref<64x128xf32, #tpu.memory_space<vmem>>) dst(%dma_wait3A_93 : memref<64x128xf32, #tpu.memory_space<hbm>>)
    %dma_wait3A_94 = arith.constant 128 : i32
    %dma_wait3A_95 = tpu.memref_slice %arg10[%add3A_81, %dma_wait3A_94] : memref<16384x256xf32, #tpu.memory_space<hbm>> -> memref<64x128xf32, #tpu.memory_space<hbm>>
    %dma_wait3A_96 = arith.constant 128 : i32
    %dma_wait3A_97 = tpu.memref_slice %arg10[%add3A_81, %dma_wait3A_96] : memref<16384x256xf32, #tpu.memory_space<hbm>> -> memref<64x128xf32, #tpu.memory_space<hbm>>
    tpu.wait_dma2 semaphore(%arg30 : memref<!tpu.dma_semaphore, #tpu.memory_space<semaphore_mem>>) src(%arg20 : memref<64x128xf32, #tpu.memory_space<vmem>>) dst(%dma_wait3A_97 : memref<64x128xf32, #tpu.memory_space<hbm>>)
    %dma_start3A_98 = arith.constant 192 : i32
    %dma_start3A_99 = tpu.memref_slice %arg12[%dma_start3A_98] : memref<512xi32, #tpu.memory_space<vmem>> -> memref<64xi32, #tpu.memory_space<vmem>>
    %dma_start3A_100 = arith.constant 0 : i32
    %dma_start3A_101 = arith.constant 0 : i32
    %dma_start3A_102 = tpu.memref_slice %arg7[%dma_start3A_100, %dma_start3A_101] : memref<1000001x128xf32, #tpu.memory_space<hbm>> -> memref<1000001x128xf32, #tpu.memory_space<hbm>>
    tpu.enqueue_indirect_dma source(%dma_start3A_102 : memref<1000001x128xf32, #tpu.memory_space<hbm>>) target(%arg17 : memref<64x128xf32, #tpu.memory_space<vmem>>) offsets(%dma_start3A_99 : memref<64xi32, #tpu.memory_space<vmem>>) semaphore(%arg27 : memref<!tpu.dma_semaphore, #tpu.memory_space<semaphore_mem>>)
    %dma_start3A_103 = arith.constant 192 : i32
    %dma_start3A_104 = tpu.memref_slice %arg13[%dma_start3A_103] : memref<512xi32, #tpu.memory_space<vmem>> -> memref<64xi32, #tpu.memory_space<vmem>>
    %dma_start3A_105 = arith.constant 0 : i32
    %dma_start3A_106 = arith.constant 0 : i32
    %dma_start3A_107 = tpu.memref_slice %arg8[%dma_start3A_105, %dma_start3A_106] : memref<100001x128xf32, #tpu.memory_space<hbm>> -> memref<100001x128xf32, #tpu.memory_space<hbm>>
    tpu.enqueue_indirect_dma source(%dma_start3A_107 : memref<100001x128xf32, #tpu.memory_space<hbm>>) target(%arg20 : memref<64x128xf32, #tpu.memory_space<vmem>>) offsets(%dma_start3A_104 : memref<64xi32, #tpu.memory_space<vmem>>) semaphore(%arg27 : memref<!tpu.dma_semaphore, #tpu.memory_space<semaphore_mem>>)
    %dma_wait3A_108 = arith.constant 64 : i32
    %dma_wait3A_109 = tpu.memref_slice %arg12[%dma_wait3A_108] : memref<512xi32, #tpu.memory_space<vmem>> -> memref<64xi32, #tpu.memory_space<vmem>>
    %dma_wait3A_110 = arith.constant 0 : i32
    %dma_wait3A_111 = arith.constant 0 : i32
    %dma_wait3A_112 = tpu.memref_slice %arg7[%dma_wait3A_110, %dma_wait3A_111] : memref<1000001x128xf32, #tpu.memory_space<hbm>> -> memref<1000001x128xf32, #tpu.memory_space<hbm>>
    tpu.wait_indirect_dma semaphore(%arg28 : memref<!tpu.dma_semaphore, #tpu.memory_space<semaphore_mem>>) src(%dma_wait3A_112 : memref<1000001x128xf32, #tpu.memory_space<hbm>>) dst(%arg18 : memref<64x128xf32, #tpu.memory_space<vmem>>)
    %dma_wait3A_113 = arith.constant 64 : i32
    %dma_wait3A_114 = tpu.memref_slice %arg13[%dma_wait3A_113] : memref<512xi32, #tpu.memory_space<vmem>> -> memref<64xi32, #tpu.memory_space<vmem>>
    %dma_wait3A_115 = arith.constant 0 : i32
    %dma_wait3A_116 = arith.constant 0 : i32
    %dma_wait3A_117 = tpu.memref_slice %arg8[%dma_wait3A_115, %dma_wait3A_116] : memref<100001x128xf32, #tpu.memory_space<hbm>> -> memref<100001x128xf32, #tpu.memory_space<hbm>>
    tpu.wait_indirect_dma semaphore(%arg28 : memref<!tpu.dma_semaphore, #tpu.memory_space<semaphore_mem>>) src(%dma_wait3A_117 : memref<100001x128xf32, #tpu.memory_space<hbm>>) dst(%arg21 : memref<64x128xf32, #tpu.memory_space<vmem>>)
    %add3A_118 = arith.constant 64 : i32
    %add3A_119 = arith.addi %mul3A_2, %add3A_118 : i32
    %dma_start3A_120 = arith.constant 0 : i32
    %dma_start3A_121 = tpu.memref_slice %arg10[%add3A_119, %dma_start3A_120] : memref<16384x256xf32, #tpu.memory_space<hbm>> -> memref<64x128xf32, #tpu.memory_space<hbm>>
    %dma_start3A_122 = arith.constant 0 : i32
    %dma_start3A_123 = tpu.memref_slice %arg10[%add3A_119, %dma_start3A_122] : memref<16384x256xf32, #tpu.memory_space<hbm>> -> memref<64x128xf32, #tpu.memory_space<hbm>>
    tpu.enqueue_dma source(%arg18 : memref<64x128xf32, #tpu.memory_space<vmem>>) target(%dma_start3A_123 : memref<64x128xf32, #tpu.memory_space<hbm>>) target_semaphore(%arg31 : memref<!tpu.dma_semaphore, #tpu.memory_space<semaphore_mem>>)
    %dma_start3A_124 = arith.constant 128 : i32
    %dma_start3A_125 = tpu.memref_slice %arg10[%add3A_119, %dma_start3A_124] : memref<16384x256xf32, #tpu.memory_space<hbm>> -> memref<64x128xf32, #tpu.memory_space<hbm>>
    %dma_start3A_126 = arith.constant 128 : i32
    %dma_start3A_127 = tpu.memref_slice %arg10[%add3A_119, %dma_start3A_126] : memref<16384x256xf32, #tpu.memory_space<hbm>> -> memref<64x128xf32, #tpu.memory_space<hbm>>
    tpu.enqueue_dma source(%arg21 : memref<64x128xf32, #tpu.memory_space<vmem>>) target(%dma_start3A_127 : memref<64x128xf32, #tpu.memory_space<hbm>>) target_semaphore(%arg31 : memref<!tpu.dma_semaphore, #tpu.memory_space<semaphore_mem>>)
    %dma_wait3A_128 = arith.constant 0 : i32
    %dma_wait3A_129 = tpu.memref_slice %arg10[%add3A_119, %dma_wait3A_128] : memref<16384x256xf32, #tpu.memory_space<hbm>> -> memref<64x128xf32, #tpu.memory_space<hbm>>
    %dma_wait3A_130 = arith.constant 0 : i32
    %dma_wait3A_131 = tpu.memref_slice %arg10[%add3A_119, %dma_wait3A_130] : memref<16384x256xf32, #tpu.memory_space<hbm>> -> memref<64x128xf32, #tpu.memory_space<hbm>>
    tpu.wait_dma2 semaphore(%arg31 : memref<!tpu.dma_semaphore, #tpu.memory_space<semaphore_mem>>) src(%arg18 : memref<64x128xf32, #tpu.memory_space<vmem>>) dst(%dma_wait3A_131 : memref<64x128xf32, #tpu.memory_space<hbm>>)
    %dma_wait3A_132 = arith.constant 128 : i32
    %dma_wait3A_133 = tpu.memref_slice %arg10[%add3A_119, %dma_wait3A_132] : memref<16384x256xf32, #tpu.memory_space<hbm>> -> memref<64x128xf32, #tpu.memory_space<hbm>>
    %dma_wait3A_134 = arith.constant 128 : i32
    %dma_wait3A_135 = tpu.memref_slice %arg10[%add3A_119, %dma_wait3A_134] : memref<16384x256xf32, #tpu.memory_space<hbm>> -> memref<64x128xf32, #tpu.memory_space<hbm>>
    tpu.wait_dma2 semaphore(%arg31 : memref<!tpu.dma_semaphore, #tpu.memory_space<semaphore_mem>>) src(%arg21 : memref<64x128xf32, #tpu.memory_space<vmem>>) dst(%dma_wait3A_135 : memref<64x128xf32, #tpu.memory_space<hbm>>)
    %dma_start3A_136 = arith.constant 256 : i32
    %dma_start3A_137 = tpu.memref_slice %arg12[%dma_start3A_136] : memref<512xi32, #tpu.memory_space<vmem>> -> memref<64xi32, #tpu.memory_space<vmem>>
    %dma_start3A_138 = arith.constant 0 : i32
    %dma_start3A_139 = arith.constant 0 : i32
    %dma_start3A_140 = tpu.memref_slice %arg7[%dma_start3A_138, %dma_start3A_139] : memref<1000001x128xf32, #tpu.memory_space<hbm>> -> memref<1000001x128xf32, #tpu.memory_space<hbm>>
    tpu.enqueue_indirect_dma source(%dma_start3A_140 : memref<1000001x128xf32, #tpu.memory_space<hbm>>) target(%arg18 : memref<64x128xf32, #tpu.memory_space<vmem>>) offsets(%dma_start3A_137 : memref<64xi32, #tpu.memory_space<vmem>>) semaphore(%arg28 : memref<!tpu.dma_semaphore, #tpu.memory_space<semaphore_mem>>)
    %dma_start3A_141 = arith.constant 256 : i32
    %dma_start3A_142 = tpu.memref_slice %arg13[%dma_start3A_141] : memref<512xi32, #tpu.memory_space<vmem>> -> memref<64xi32, #tpu.memory_space<vmem>>
    %dma_start3A_143 = arith.constant 0 : i32
    %dma_start3A_144 = arith.constant 0 : i32
    %dma_start3A_145 = tpu.memref_slice %arg8[%dma_start3A_143, %dma_start3A_144] : memref<100001x128xf32, #tpu.memory_space<hbm>> -> memref<100001x128xf32, #tpu.memory_space<hbm>>
    tpu.enqueue_indirect_dma source(%dma_start3A_145 : memref<100001x128xf32, #tpu.memory_space<hbm>>) target(%arg21 : memref<64x128xf32, #tpu.memory_space<vmem>>) offsets(%dma_start3A_142 : memref<64xi32, #tpu.memory_space<vmem>>) semaphore(%arg28 : memref<!tpu.dma_semaphore, #tpu.memory_space<semaphore_mem>>)
    %dma_wait3A_146 = arith.constant 128 : i32
    %dma_wait3A_147 = tpu.memref_slice %arg12[%dma_wait3A_146] : memref<512xi32, #tpu.memory_space<vmem>> -> memref<64xi32, #tpu.memory_space<vmem>>
    %dma_wait3A_148 = arith.constant 0 : i32
    %dma_wait3A_149 = arith.constant 0 : i32
    %dma_wait3A_150 = tpu.memref_slice %arg7[%dma_wait3A_148, %dma_wait3A_149] : memref<1000001x128xf32, #tpu.memory_space<hbm>> -> memref<1000001x128xf32, #tpu.memory_space<hbm>>
    tpu.wait_indirect_dma semaphore(%arg29 : memref<!tpu.dma_semaphore, #tpu.memory_space<semaphore_mem>>) src(%dma_wait3A_150 : memref<1000001x128xf32, #tpu.memory_space<hbm>>) dst(%arg19 : memref<64x128xf32, #tpu.memory_space<vmem>>)
    %dma_wait3A_151 = arith.constant 128 : i32
    %dma_wait3A_152 = tpu.memref_slice %arg13[%dma_wait3A_151] : memref<512xi32, #tpu.memory_space<vmem>> -> memref<64xi32, #tpu.memory_space<vmem>>
    %dma_wait3A_153 = arith.constant 0 : i32
    %dma_wait3A_154 = arith.constant 0 : i32
    %dma_wait3A_155 = tpu.memref_slice %arg8[%dma_wait3A_153, %dma_wait3A_154] : memref<100001x128xf32, #tpu.memory_space<hbm>> -> memref<100001x128xf32, #tpu.memory_space<hbm>>
    tpu.wait_indirect_dma semaphore(%arg29 : memref<!tpu.dma_semaphore, #tpu.memory_space<semaphore_mem>>) src(%dma_wait3A_155 : memref<100001x128xf32, #tpu.memory_space<hbm>>) dst(%arg22 : memref<64x128xf32, #tpu.memory_space<vmem>>)
    %add3A_156 = arith.constant 128 : i32
    %add3A_157 = arith.addi %mul3A_2, %add3A_156 : i32
    %dma_start3A_158 = arith.constant 0 : i32
    %dma_start3A_159 = tpu.memref_slice %arg10[%add3A_157, %dma_start3A_158] : memref<16384x256xf32, #tpu.memory_space<hbm>> -> memref<64x128xf32, #tpu.memory_space<hbm>>
    %dma_start3A_160 = arith.constant 0 : i32
    %dma_start3A_161 = tpu.memref_slice %arg10[%add3A_157, %dma_start3A_160] : memref<16384x256xf32, #tpu.memory_space<hbm>> -> memref<64x128xf32, #tpu.memory_space<hbm>>
    tpu.enqueue_dma source(%arg19 : memref<64x128xf32, #tpu.memory_space<vmem>>) target(%dma_start3A_161 : memref<64x128xf32, #tpu.memory_space<hbm>>) target_semaphore(%arg32 : memref<!tpu.dma_semaphore, #tpu.memory_space<semaphore_mem>>)
    %dma_start3A_162 = arith.constant 128 : i32
    %dma_start3A_163 = tpu.memref_slice %arg10[%add3A_157, %dma_start3A_162] : memref<16384x256xf32, #tpu.memory_space<hbm>> -> memref<64x128xf32, #tpu.memory_space<hbm>>
    %dma_start3A_164 = arith.constant 128 : i32
    %dma_start3A_165 = tpu.memref_slice %arg10[%add3A_157, %dma_start3A_164] : memref<16384x256xf32, #tpu.memory_space<hbm>> -> memref<64x128xf32, #tpu.memory_space<hbm>>
    tpu.enqueue_dma source(%arg22 : memref<64x128xf32, #tpu.memory_space<vmem>>) target(%dma_start3A_165 : memref<64x128xf32, #tpu.memory_space<hbm>>) target_semaphore(%arg32 : memref<!tpu.dma_semaphore, #tpu.memory_space<semaphore_mem>>)
    %dma_wait3A_166 = arith.constant 0 : i32
    %dma_wait3A_167 = tpu.memref_slice %arg10[%add3A_157, %dma_wait3A_166] : memref<16384x256xf32, #tpu.memory_space<hbm>> -> memref<64x128xf32, #tpu.memory_space<hbm>>
    %dma_wait3A_168 = arith.constant 0 : i32
    %dma_wait3A_169 = tpu.memref_slice %arg10[%add3A_157, %dma_wait3A_168] : memref<16384x256xf32, #tpu.memory_space<hbm>> -> memref<64x128xf32, #tpu.memory_space<hbm>>
    tpu.wait_dma2 semaphore(%arg32 : memref<!tpu.dma_semaphore, #tpu.memory_space<semaphore_mem>>) src(%arg19 : memref<64x128xf32, #tpu.memory_space<vmem>>) dst(%dma_wait3A_169 : memref<64x128xf32, #tpu.memory_space<hbm>>)
    %dma_wait3A_170 = arith.constant 128 : i32
    %dma_wait3A_171 = tpu.memref_slice %arg10[%add3A_157, %dma_wait3A_170] : memref<16384x256xf32, #tpu.memory_space<hbm>> -> memref<64x128xf32, #tpu.memory_space<hbm>>
    %dma_wait3A_172 = arith.constant 128 : i32
    %dma_wait3A_173 = tpu.memref_slice %arg10[%add3A_157, %dma_wait3A_172] : memref<16384x256xf32, #tpu.memory_space<hbm>> -> memref<64x128xf32, #tpu.memory_space<hbm>>
    tpu.wait_dma2 semaphore(%arg32 : memref<!tpu.dma_semaphore, #tpu.memory_space<semaphore_mem>>) src(%arg22 : memref<64x128xf32, #tpu.memory_space<vmem>>) dst(%dma_wait3A_173 : memref<64x128xf32, #tpu.memory_space<hbm>>)
    %dma_start3A_174 = arith.constant 320 : i32
    %dma_start3A_175 = tpu.memref_slice %arg12[%dma_start3A_174] : memref<512xi32, #tpu.memory_space<vmem>> -> memref<64xi32, #tpu.memory_space<vmem>>
    %dma_start3A_176 = arith.constant 0 : i32
    %dma_start3A_177 = arith.constant 0 : i32
    %dma_start3A_178 = tpu.memref_slice %arg7[%dma_start3A_176, %dma_start3A_177] : memref<1000001x128xf32, #tpu.memory_space<hbm>> -> memref<1000001x128xf32, #tpu.memory_space<hbm>>
    tpu.enqueue_indirect_dma source(%dma_start3A_178 : memref<1000001x128xf32, #tpu.memory_space<hbm>>) target(%arg19 : memref<64x128xf32, #tpu.memory_space<vmem>>) offsets(%dma_start3A_175 : memref<64xi32, #tpu.memory_space<vmem>>) semaphore(%arg29 : memref<!tpu.dma_semaphore, #tpu.memory_space<semaphore_mem>>)
    %dma_start3A_179 = arith.constant 320 : i32
    %dma_start3A_180 = tpu.memref_slice %arg13[%dma_start3A_179] : memref<512xi32, #tpu.memory_space<vmem>> -> memref<64xi32, #tpu.memory_space<vmem>>
    %dma_start3A_181 = arith.constant 0 : i32
    %dma_start3A_182 = arith.constant 0 : i32
    %dma_start3A_183 = tpu.memref_slice %arg8[%dma_start3A_181, %dma_start3A_182] : memref<100001x128xf32, #tpu.memory_space<hbm>> -> memref<100001x128xf32, #tpu.memory_space<hbm>>
    tpu.enqueue_indirect_dma source(%dma_start3A_183 : memref<100001x128xf32, #tpu.memory_space<hbm>>) target(%arg22 : memref<64x128xf32, #tpu.memory_space<vmem>>) offsets(%dma_start3A_180 : memref<64xi32, #tpu.memory_space<vmem>>) semaphore(%arg29 : memref<!tpu.dma_semaphore, #tpu.memory_space<semaphore_mem>>)
    %dma_wait3A_184 = arith.constant 192 : i32
    %dma_wait3A_185 = tpu.memref_slice %arg12[%dma_wait3A_184] : memref<512xi32, #tpu.memory_space<vmem>> -> memref<64xi32, #tpu.memory_space<vmem>>
    %dma_wait3A_186 = arith.constant 0 : i32
    %dma_wait3A_187 = arith.constant 0 : i32
    %dma_wait3A_188 = tpu.memref_slice %arg7[%dma_wait3A_186, %dma_wait3A_187] : memref<1000001x128xf32, #tpu.memory_space<hbm>> -> memref<1000001x128xf32, #tpu.memory_space<hbm>>
    tpu.wait_indirect_dma semaphore(%arg27 : memref<!tpu.dma_semaphore, #tpu.memory_space<semaphore_mem>>) src(%dma_wait3A_188 : memref<1000001x128xf32, #tpu.memory_space<hbm>>) dst(%arg17 : memref<64x128xf32, #tpu.memory_space<vmem>>)
    %dma_wait3A_189 = arith.constant 192 : i32
    %dma_wait3A_190 = tpu.memref_slice %arg13[%dma_wait3A_189] : memref<512xi32, #tpu.memory_space<vmem>> -> memref<64xi32, #tpu.memory_space<vmem>>
    %dma_wait3A_191 = arith.constant 0 : i32
    %dma_wait3A_192 = arith.constant 0 : i32
    %dma_wait3A_193 = tpu.memref_slice %arg8[%dma_wait3A_191, %dma_wait3A_192] : memref<100001x128xf32, #tpu.memory_space<hbm>> -> memref<100001x128xf32, #tpu.memory_space<hbm>>
    tpu.wait_indirect_dma semaphore(%arg27 : memref<!tpu.dma_semaphore, #tpu.memory_space<semaphore_mem>>) src(%dma_wait3A_193 : memref<100001x128xf32, #tpu.memory_space<hbm>>) dst(%arg20 : memref<64x128xf32, #tpu.memory_space<vmem>>)
    %add3A_194 = arith.constant 192 : i32
    %add3A_195 = arith.addi %mul3A_2, %add3A_194 : i32
    %dma_start3A_196 = arith.constant 0 : i32
    %dma_start3A_197 = tpu.memref_slice %arg10[%add3A_195, %dma_start3A_196] : memref<16384x256xf32, #tpu.memory_space<hbm>> -> memref<64x128xf32, #tpu.memory_space<hbm>>
    %dma_start3A_198 = arith.constant 0 : i32
    %dma_start3A_199 = tpu.memref_slice %arg10[%add3A_195, %dma_start3A_198] : memref<16384x256xf32, #tpu.memory_space<hbm>> -> memref<64x128xf32, #tpu.memory_space<hbm>>
    tpu.enqueue_dma source(%arg17 : memref<64x128xf32, #tpu.memory_space<vmem>>) target(%dma_start3A_199 : memref<64x128xf32, #tpu.memory_space<hbm>>) target_semaphore(%arg30 : memref<!tpu.dma_semaphore, #tpu.memory_space<semaphore_mem>>)
    %dma_start3A_200 = arith.constant 128 : i32
    %dma_start3A_201 = tpu.memref_slice %arg10[%add3A_195, %dma_start3A_200] : memref<16384x256xf32, #tpu.memory_space<hbm>> -> memref<64x128xf32, #tpu.memory_space<hbm>>
    %dma_start3A_202 = arith.constant 128 : i32
    %dma_start3A_203 = tpu.memref_slice %arg10[%add3A_195, %dma_start3A_202] : memref<16384x256xf32, #tpu.memory_space<hbm>> -> memref<64x128xf32, #tpu.memory_space<hbm>>
    tpu.enqueue_dma source(%arg20 : memref<64x128xf32, #tpu.memory_space<vmem>>) target(%dma_start3A_203 : memref<64x128xf32, #tpu.memory_space<hbm>>) target_semaphore(%arg30 : memref<!tpu.dma_semaphore, #tpu.memory_space<semaphore_mem>>)
    %dma_wait3A_204 = arith.constant 0 : i32
    %dma_wait3A_205 = tpu.memref_slice %arg10[%add3A_195, %dma_wait3A_204] : memref<16384x256xf32, #tpu.memory_space<hbm>> -> memref<64x128xf32, #tpu.memory_space<hbm>>
    %dma_wait3A_206 = arith.constant 0 : i32
    %dma_wait3A_207 = tpu.memref_slice %arg10[%add3A_195, %dma_wait3A_206] : memref<16384x256xf32, #tpu.memory_space<hbm>> -> memref<64x128xf32, #tpu.memory_space<hbm>>
    tpu.wait_dma2 semaphore(%arg30 : memref<!tpu.dma_semaphore, #tpu.memory_space<semaphore_mem>>) src(%arg17 : memref<64x128xf32, #tpu.memory_space<vmem>>) dst(%dma_wait3A_207 : memref<64x128xf32, #tpu.memory_space<hbm>>)
    %dma_wait3A_208 = arith.constant 128 : i32
    %dma_wait3A_209 = tpu.memref_slice %arg10[%add3A_195, %dma_wait3A_208] : memref<16384x256xf32, #tpu.memory_space<hbm>> -> memref<64x128xf32, #tpu.memory_space<hbm>>
    %dma_wait3A_210 = arith.constant 128 : i32
    %dma_wait3A_211 = tpu.memref_slice %arg10[%add3A_195, %dma_wait3A_210] : memref<16384x256xf32, #tpu.memory_space<hbm>> -> memref<64x128xf32, #tpu.memory_space<hbm>>
    tpu.wait_dma2 semaphore(%arg30 : memref<!tpu.dma_semaphore, #tpu.memory_space<semaphore_mem>>) src(%arg20 : memref<64x128xf32, #tpu.memory_space<vmem>>) dst(%dma_wait3A_211 : memref<64x128xf32, #tpu.memory_space<hbm>>)
    %dma_start3A_212 = arith.constant 384 : i32
    %dma_start3A_213 = tpu.memref_slice %arg12[%dma_start3A_212] : memref<512xi32, #tpu.memory_space<vmem>> -> memref<64xi32, #tpu.memory_space<vmem>>
    %dma_start3A_214 = arith.constant 0 : i32
    %dma_start3A_215 = arith.constant 0 : i32
    %dma_start3A_216 = tpu.memref_slice %arg7[%dma_start3A_214, %dma_start3A_215] : memref<1000001x128xf32, #tpu.memory_space<hbm>> -> memref<1000001x128xf32, #tpu.memory_space<hbm>>
    tpu.enqueue_indirect_dma source(%dma_start3A_216 : memref<1000001x128xf32, #tpu.memory_space<hbm>>) target(%arg17 : memref<64x128xf32, #tpu.memory_space<vmem>>) offsets(%dma_start3A_213 : memref<64xi32, #tpu.memory_space<vmem>>) semaphore(%arg27 : memref<!tpu.dma_semaphore, #tpu.memory_space<semaphore_mem>>)
    %dma_start3A_217 = arith.constant 384 : i32
    %dma_start3A_218 = tpu.memref_slice %arg13[%dma_start3A_217] : memref<512xi32, #tpu.memory_space<vmem>> -> memref<64xi32, #tpu.memory_space<vmem>>
    %dma_start3A_219 = arith.constant 0 : i32
    %dma_start3A_220 = arith.constant 0 : i32
    %dma_start3A_221 = tpu.memref_slice %arg8[%dma_start3A_219, %dma_start3A_220] : memref<100001x128xf32, #tpu.memory_space<hbm>> -> memref<100001x128xf32, #tpu.memory_space<hbm>>
    tpu.enqueue_indirect_dma source(%dma_start3A_221 : memref<100001x128xf32, #tpu.memory_space<hbm>>) target(%arg20 : memref<64x128xf32, #tpu.memory_space<vmem>>) offsets(%dma_start3A_218 : memref<64xi32, #tpu.memory_space<vmem>>) semaphore(%arg27 : memref<!tpu.dma_semaphore, #tpu.memory_space<semaphore_mem>>)
    %dma_wait3A_222 = arith.constant 256 : i32
    %dma_wait3A_223 = tpu.memref_slice %arg12[%dma_wait3A_222] : memref<512xi32, #tpu.memory_space<vmem>> -> memref<64xi32, #tpu.memory_space<vmem>>
    %dma_wait3A_224 = arith.constant 0 : i32
    %dma_wait3A_225 = arith.constant 0 : i32
    %dma_wait3A_226 = tpu.memref_slice %arg7[%dma_wait3A_224, %dma_wait3A_225] : memref<1000001x128xf32, #tpu.memory_space<hbm>> -> memref<1000001x128xf32, #tpu.memory_space<hbm>>
    tpu.wait_indirect_dma semaphore(%arg28 : memref<!tpu.dma_semaphore, #tpu.memory_space<semaphore_mem>>) src(%dma_wait3A_226 : memref<1000001x128xf32, #tpu.memory_space<hbm>>) dst(%arg18 : memref<64x128xf32, #tpu.memory_space<vmem>>)
    %dma_wait3A_227 = arith.constant 256 : i32
    %dma_wait3A_228 = tpu.memref_slice %arg13[%dma_wait3A_227] : memref<512xi32, #tpu.memory_space<vmem>> -> memref<64xi32, #tpu.memory_space<vmem>>
    %dma_wait3A_229 = arith.constant 0 : i32
    %dma_wait3A_230 = arith.constant 0 : i32
    %dma_wait3A_231 = tpu.memref_slice %arg8[%dma_wait3A_229, %dma_wait3A_230] : memref<100001x128xf32, #tpu.memory_space<hbm>> -> memref<100001x128xf32, #tpu.memory_space<hbm>>
    tpu.wait_indirect_dma semaphore(%arg28 : memref<!tpu.dma_semaphore, #tpu.memory_space<semaphore_mem>>) src(%dma_wait3A_231 : memref<100001x128xf32, #tpu.memory_space<hbm>>) dst(%arg21 : memref<64x128xf32, #tpu.memory_space<vmem>>)
    %add3A_232 = arith.constant 256 : i32
    %add3A_233 = arith.addi %mul3A_2, %add3A_232 : i32
    %dma_start3A_234 = arith.constant 0 : i32
    %dma_start3A_235 = tpu.memref_slice %arg10[%add3A_233, %dma_start3A_234] : memref<16384x256xf32, #tpu.memory_space<hbm>> -> memref<64x128xf32, #tpu.memory_space<hbm>>
    %dma_start3A_236 = arith.constant 0 : i32
    %dma_start3A_237 = tpu.memref_slice %arg10[%add3A_233, %dma_start3A_236] : memref<16384x256xf32, #tpu.memory_space<hbm>> -> memref<64x128xf32, #tpu.memory_space<hbm>>
    tpu.enqueue_dma source(%arg18 : memref<64x128xf32, #tpu.memory_space<vmem>>) target(%dma_start3A_237 : memref<64x128xf32, #tpu.memory_space<hbm>>) target_semaphore(%arg31 : memref<!tpu.dma_semaphore, #tpu.memory_space<semaphore_mem>>)
    %dma_start3A_238 = arith.constant 128 : i32
    %dma_start3A_239 = tpu.memref_slice %arg10[%add3A_233, %dma_start3A_238] : memref<16384x256xf32, #tpu.memory_space<hbm>> -> memref<64x128xf32, #tpu.memory_space<hbm>>
    %dma_start3A_240 = arith.constant 128 : i32
    %dma_start3A_241 = tpu.memref_slice %arg10[%add3A_233, %dma_start3A_240] : memref<16384x256xf32, #tpu.memory_space<hbm>> -> memref<64x128xf32, #tpu.memory_space<hbm>>
    tpu.enqueue_dma source(%arg21 : memref<64x128xf32, #tpu.memory_space<vmem>>) target(%dma_start3A_241 : memref<64x128xf32, #tpu.memory_space<hbm>>) target_semaphore(%arg31 : memref<!tpu.dma_semaphore, #tpu.memory_space<semaphore_mem>>)
    %dma_wait3A_242 = arith.constant 0 : i32
    %dma_wait3A_243 = tpu.memref_slice %arg10[%add3A_233, %dma_wait3A_242] : memref<16384x256xf32, #tpu.memory_space<hbm>> -> memref<64x128xf32, #tpu.memory_space<hbm>>
    %dma_wait3A_244 = arith.constant 0 : i32
    %dma_wait3A_245 = tpu.memref_slice %arg10[%add3A_233, %dma_wait3A_244] : memref<16384x256xf32, #tpu.memory_space<hbm>> -> memref<64x128xf32, #tpu.memory_space<hbm>>
    tpu.wait_dma2 semaphore(%arg31 : memref<!tpu.dma_semaphore, #tpu.memory_space<semaphore_mem>>) src(%arg18 : memref<64x128xf32, #tpu.memory_space<vmem>>) dst(%dma_wait3A_245 : memref<64x128xf32, #tpu.memory_space<hbm>>)
    %dma_wait3A_246 = arith.constant 128 : i32
    %dma_wait3A_247 = tpu.memref_slice %arg10[%add3A_233, %dma_wait3A_246] : memref<16384x256xf32, #tpu.memory_space<hbm>> -> memref<64x128xf32, #tpu.memory_space<hbm>>
    %dma_wait3A_248 = arith.constant 128 : i32
    %dma_wait3A_249 = tpu.memref_slice %arg10[%add3A_233, %dma_wait3A_248] : memref<16384x256xf32, #tpu.memory_space<hbm>> -> memref<64x128xf32, #tpu.memory_space<hbm>>
    tpu.wait_dma2 semaphore(%arg31 : memref<!tpu.dma_semaphore, #tpu.memory_space<semaphore_mem>>) src(%arg21 : memref<64x128xf32, #tpu.memory_space<vmem>>) dst(%dma_wait3A_249 : memref<64x128xf32, #tpu.memory_space<hbm>>)
    %dma_start3A_250 = arith.constant 448 : i32
    %dma_start3A_251 = tpu.memref_slice %arg12[%dma_start3A_250] : memref<512xi32, #tpu.memory_space<vmem>> -> memref<64xi32, #tpu.memory_space<vmem>>
    %dma_start3A_252 = arith.constant 0 : i32
    %dma_start3A_253 = arith.constant 0 : i32
    %dma_start3A_254 = tpu.memref_slice %arg7[%dma_start3A_252, %dma_start3A_253] : memref<1000001x128xf32, #tpu.memory_space<hbm>> -> memref<1000001x128xf32, #tpu.memory_space<hbm>>
    tpu.enqueue_indirect_dma source(%dma_start3A_254 : memref<1000001x128xf32, #tpu.memory_space<hbm>>) target(%arg18 : memref<64x128xf32, #tpu.memory_space<vmem>>) offsets(%dma_start3A_251 : memref<64xi32, #tpu.memory_space<vmem>>) semaphore(%arg28 : memref<!tpu.dma_semaphore, #tpu.memory_space<semaphore_mem>>)
    %dma_start3A_255 = arith.constant 448 : i32
    %dma_start3A_256 = tpu.memref_slice %arg13[%dma_start3A_255] : memref<512xi32, #tpu.memory_space<vmem>> -> memref<64xi32, #tpu.memory_space<vmem>>
    %dma_start3A_257 = arith.constant 0 : i32
    %dma_start3A_258 = arith.constant 0 : i32
    %dma_start3A_259 = tpu.memref_slice %arg8[%dma_start3A_257, %dma_start3A_258] : memref<100001x128xf32, #tpu.memory_space<hbm>> -> memref<100001x128xf32, #tpu.memory_space<hbm>>
    tpu.enqueue_indirect_dma source(%dma_start3A_259 : memref<100001x128xf32, #tpu.memory_space<hbm>>) target(%arg21 : memref<64x128xf32, #tpu.memory_space<vmem>>) offsets(%dma_start3A_256 : memref<64xi32, #tpu.memory_space<vmem>>) semaphore(%arg28 : memref<!tpu.dma_semaphore, #tpu.memory_space<semaphore_mem>>)
    %dma_wait3A_260 = arith.constant 320 : i32
    %dma_wait3A_261 = tpu.memref_slice %arg12[%dma_wait3A_260] : memref<512xi32, #tpu.memory_space<vmem>> -> memref<64xi32, #tpu.memory_space<vmem>>
    %dma_wait3A_262 = arith.constant 0 : i32
    %dma_wait3A_263 = arith.constant 0 : i32
    %dma_wait3A_264 = tpu.memref_slice %arg7[%dma_wait3A_262, %dma_wait3A_263] : memref<1000001x128xf32, #tpu.memory_space<hbm>> -> memref<1000001x128xf32, #tpu.memory_space<hbm>>
    tpu.wait_indirect_dma semaphore(%arg29 : memref<!tpu.dma_semaphore, #tpu.memory_space<semaphore_mem>>) src(%dma_wait3A_264 : memref<1000001x128xf32, #tpu.memory_space<hbm>>) dst(%arg19 : memref<64x128xf32, #tpu.memory_space<vmem>>)
    %dma_wait3A_265 = arith.constant 320 : i32
    %dma_wait3A_266 = tpu.memref_slice %arg13[%dma_wait3A_265] : memref<512xi32, #tpu.memory_space<vmem>> -> memref<64xi32, #tpu.memory_space<vmem>>
    %dma_wait3A_267 = arith.constant 0 : i32
    %dma_wait3A_268 = arith.constant 0 : i32
    %dma_wait3A_269 = tpu.memref_slice %arg8[%dma_wait3A_267, %dma_wait3A_268] : memref<100001x128xf32, #tpu.memory_space<hbm>> -> memref<100001x128xf32, #tpu.memory_space<hbm>>
    tpu.wait_indirect_dma semaphore(%arg29 : memref<!tpu.dma_semaphore, #tpu.memory_space<semaphore_mem>>) src(%dma_wait3A_269 : memref<100001x128xf32, #tpu.memory_space<hbm>>) dst(%arg22 : memref<64x128xf32, #tpu.memory_space<vmem>>)
    %add3A_270 = arith.constant 320 : i32
    %add3A_271 = arith.addi %mul3A_2, %add3A_270 : i32
    %dma_start3A_272 = arith.constant 0 : i32
    %dma_start3A_273 = tpu.memref_slice %arg10[%add3A_271, %dma_start3A_272] : memref<16384x256xf32, #tpu.memory_space<hbm>> -> memref<64x128xf32, #tpu.memory_space<hbm>>
    %dma_start3A_274 = arith.constant 0 : i32
    %dma_start3A_275 = tpu.memref_slice %arg10[%add3A_271, %dma_start3A_274] : memref<16384x256xf32, #tpu.memory_space<hbm>> -> memref<64x128xf32, #tpu.memory_space<hbm>>
    tpu.enqueue_dma source(%arg19 : memref<64x128xf32, #tpu.memory_space<vmem>>) target(%dma_start3A_275 : memref<64x128xf32, #tpu.memory_space<hbm>>) target_semaphore(%arg32 : memref<!tpu.dma_semaphore, #tpu.memory_space<semaphore_mem>>)
    %dma_start3A_276 = arith.constant 128 : i32
    %dma_start3A_277 = tpu.memref_slice %arg10[%add3A_271, %dma_start3A_276] : memref<16384x256xf32, #tpu.memory_space<hbm>> -> memref<64x128xf32, #tpu.memory_space<hbm>>
    %dma_start3A_278 = arith.constant 128 : i32
    %dma_start3A_279 = tpu.memref_slice %arg10[%add3A_271, %dma_start3A_278] : memref<16384x256xf32, #tpu.memory_space<hbm>> -> memref<64x128xf32, #tpu.memory_space<hbm>>
    tpu.enqueue_dma source(%arg22 : memref<64x128xf32, #tpu.memory_space<vmem>>) target(%dma_start3A_279 : memref<64x128xf32, #tpu.memory_space<hbm>>) target_semaphore(%arg32 : memref<!tpu.dma_semaphore, #tpu.memory_space<semaphore_mem>>)
    %dma_wait3A_280 = arith.constant 384 : i32
    %dma_wait3A_281 = tpu.memref_slice %arg12[%dma_wait3A_280] : memref<512xi32, #tpu.memory_space<vmem>> -> memref<64xi32, #tpu.memory_space<vmem>>
    %dma_wait3A_282 = arith.constant 0 : i32
    %dma_wait3A_283 = arith.constant 0 : i32
    %dma_wait3A_284 = tpu.memref_slice %arg7[%dma_wait3A_282, %dma_wait3A_283] : memref<1000001x128xf32, #tpu.memory_space<hbm>> -> memref<1000001x128xf32, #tpu.memory_space<hbm>>
    tpu.wait_indirect_dma semaphore(%arg27 : memref<!tpu.dma_semaphore, #tpu.memory_space<semaphore_mem>>) src(%dma_wait3A_284 : memref<1000001x128xf32, #tpu.memory_space<hbm>>) dst(%arg17 : memref<64x128xf32, #tpu.memory_space<vmem>>)
    %dma_wait3A_285 = arith.constant 384 : i32
    %dma_wait3A_286 = tpu.memref_slice %arg13[%dma_wait3A_285] : memref<512xi32, #tpu.memory_space<vmem>> -> memref<64xi32, #tpu.memory_space<vmem>>
    %dma_wait3A_287 = arith.constant 0 : i32
    %dma_wait3A_288 = arith.constant 0 : i32
    %dma_wait3A_289 = tpu.memref_slice %arg8[%dma_wait3A_287, %dma_wait3A_288] : memref<100001x128xf32, #tpu.memory_space<hbm>> -> memref<100001x128xf32, #tpu.memory_space<hbm>>
    tpu.wait_indirect_dma semaphore(%arg27 : memref<!tpu.dma_semaphore, #tpu.memory_space<semaphore_mem>>) src(%dma_wait3A_289 : memref<100001x128xf32, #tpu.memory_space<hbm>>) dst(%arg20 : memref<64x128xf32, #tpu.memory_space<vmem>>)
    %add3A_290 = arith.constant 384 : i32
    %add3A_291 = arith.addi %mul3A_2, %add3A_290 : i32
    %dma_start3A_292 = arith.constant 0 : i32
    %dma_start3A_293 = tpu.memref_slice %arg10[%add3A_291, %dma_start3A_292] : memref<16384x256xf32, #tpu.memory_space<hbm>> -> memref<64x128xf32, #tpu.memory_space<hbm>>
    %dma_start3A_294 = arith.constant 0 : i32
    %dma_start3A_295 = tpu.memref_slice %arg10[%add3A_291, %dma_start3A_294] : memref<16384x256xf32, #tpu.memory_space<hbm>> -> memref<64x128xf32, #tpu.memory_space<hbm>>
    tpu.enqueue_dma source(%arg17 : memref<64x128xf32, #tpu.memory_space<vmem>>) target(%dma_start3A_295 : memref<64x128xf32, #tpu.memory_space<hbm>>) target_semaphore(%arg30 : memref<!tpu.dma_semaphore, #tpu.memory_space<semaphore_mem>>)
    %dma_start3A_296 = arith.constant 128 : i32
    %dma_start3A_297 = tpu.memref_slice %arg10[%add3A_291, %dma_start3A_296] : memref<16384x256xf32, #tpu.memory_space<hbm>> -> memref<64x128xf32, #tpu.memory_space<hbm>>
    %dma_start3A_298 = arith.constant 128 : i32
    %dma_start3A_299 = tpu.memref_slice %arg10[%add3A_291, %dma_start3A_298] : memref<16384x256xf32, #tpu.memory_space<hbm>> -> memref<64x128xf32, #tpu.memory_space<hbm>>
    tpu.enqueue_dma source(%arg20 : memref<64x128xf32, #tpu.memory_space<vmem>>) target(%dma_start3A_299 : memref<64x128xf32, #tpu.memory_space<hbm>>) target_semaphore(%arg30 : memref<!tpu.dma_semaphore, #tpu.memory_space<semaphore_mem>>)
    %dma_wait3A_300 = arith.constant 448 : i32
    %dma_wait3A_301 = tpu.memref_slice %arg12[%dma_wait3A_300] : memref<512xi32, #tpu.memory_space<vmem>> -> memref<64xi32, #tpu.memory_space<vmem>>
    %dma_wait3A_302 = arith.constant 0 : i32
    %dma_wait3A_303 = arith.constant 0 : i32
    %dma_wait3A_304 = tpu.memref_slice %arg7[%dma_wait3A_302, %dma_wait3A_303] : memref<1000001x128xf32, #tpu.memory_space<hbm>> -> memref<1000001x128xf32, #tpu.memory_space<hbm>>
    tpu.wait_indirect_dma semaphore(%arg28 : memref<!tpu.dma_semaphore, #tpu.memory_space<semaphore_mem>>) src(%dma_wait3A_304 : memref<1000001x128xf32, #tpu.memory_space<hbm>>) dst(%arg18 : memref<64x128xf32, #tpu.memory_space<vmem>>)
    %dma_wait3A_305 = arith.constant 448 : i32
    %dma_wait3A_306 = tpu.memref_slice %arg13[%dma_wait3A_305] : memref<512xi32, #tpu.memory_space<vmem>> -> memref<64xi32, #tpu.memory_space<vmem>>
    %dma_wait3A_307 = arith.constant 0 : i32
    %dma_wait3A_308 = arith.constant 0 : i32
    %dma_wait3A_309 = tpu.memref_slice %arg8[%dma_wait3A_307, %dma_wait3A_308] : memref<100001x128xf32, #tpu.memory_space<hbm>> -> memref<100001x128xf32, #tpu.memory_space<hbm>>
    tpu.wait_indirect_dma semaphore(%arg28 : memref<!tpu.dma_semaphore, #tpu.memory_space<semaphore_mem>>) src(%dma_wait3A_309 : memref<100001x128xf32, #tpu.memory_space<hbm>>) dst(%arg21 : memref<64x128xf32, #tpu.memory_space<vmem>>)
    %add3A_310 = arith.constant 448 : i32
    %add3A_311 = arith.addi %mul3A_2, %add3A_310 : i32
    %dma_start3A_312 = arith.constant 0 : i32
    %dma_start3A_313 = tpu.memref_slice %arg10[%add3A_311, %dma_start3A_312] : memref<16384x256xf32, #tpu.memory_space<hbm>> -> memref<64x128xf32, #tpu.memory_space<hbm>>
    %dma_start3A_314 = arith.constant 0 : i32
    %dma_start3A_315 = tpu.memref_slice %arg10[%add3A_311, %dma_start3A_314] : memref<16384x256xf32, #tpu.memory_space<hbm>> -> memref<64x128xf32, #tpu.memory_space<hbm>>
    tpu.enqueue_dma source(%arg18 : memref<64x128xf32, #tpu.memory_space<vmem>>) target(%dma_start3A_315 : memref<64x128xf32, #tpu.memory_space<hbm>>) target_semaphore(%arg31 : memref<!tpu.dma_semaphore, #tpu.memory_space<semaphore_mem>>)
    %dma_start3A_316 = arith.constant 128 : i32
    %dma_start3A_317 = tpu.memref_slice %arg10[%add3A_311, %dma_start3A_316] : memref<16384x256xf32, #tpu.memory_space<hbm>> -> memref<64x128xf32, #tpu.memory_space<hbm>>
    %dma_start3A_318 = arith.constant 128 : i32
    %dma_start3A_319 = tpu.memref_slice %arg10[%add3A_311, %dma_start3A_318] : memref<16384x256xf32, #tpu.memory_space<hbm>> -> memref<64x128xf32, #tpu.memory_space<hbm>>
    tpu.enqueue_dma source(%arg21 : memref<64x128xf32, #tpu.memory_space<vmem>>) target(%dma_start3A_319 : memref<64x128xf32, #tpu.memory_space<hbm>>) target_semaphore(%arg31 : memref<!tpu.dma_semaphore, #tpu.memory_space<semaphore_mem>>)
    %dma_wait3A_320 = arith.constant 0 : i32
    %dma_wait3A_321 = tpu.memref_slice %arg10[%add3A_271, %dma_wait3A_320] : memref<16384x256xf32, #tpu.memory_space<hbm>> -> memref<64x128xf32, #tpu.memory_space<hbm>>
    %dma_wait3A_322 = arith.constant 0 : i32
    %dma_wait3A_323 = tpu.memref_slice %arg10[%add3A_271, %dma_wait3A_322] : memref<16384x256xf32, #tpu.memory_space<hbm>> -> memref<64x128xf32, #tpu.memory_space<hbm>>
    tpu.wait_dma2 semaphore(%arg32 : memref<!tpu.dma_semaphore, #tpu.memory_space<semaphore_mem>>) src(%arg19 : memref<64x128xf32, #tpu.memory_space<vmem>>) dst(%dma_wait3A_323 : memref<64x128xf32, #tpu.memory_space<hbm>>)
    %dma_wait3A_324 = arith.constant 128 : i32
    %dma_wait3A_325 = tpu.memref_slice %arg10[%add3A_271, %dma_wait3A_324] : memref<16384x256xf32, #tpu.memory_space<hbm>> -> memref<64x128xf32, #tpu.memory_space<hbm>>
    %dma_wait3A_326 = arith.constant 128 : i32
    %dma_wait3A_327 = tpu.memref_slice %arg10[%add3A_271, %dma_wait3A_326] : memref<16384x256xf32, #tpu.memory_space<hbm>> -> memref<64x128xf32, #tpu.memory_space<hbm>>
    tpu.wait_dma2 semaphore(%arg32 : memref<!tpu.dma_semaphore, #tpu.memory_space<semaphore_mem>>) src(%arg22 : memref<64x128xf32, #tpu.memory_space<vmem>>) dst(%dma_wait3A_327 : memref<64x128xf32, #tpu.memory_space<hbm>>)
    %dma_wait3A_328 = arith.constant 0 : i32
    %dma_wait3A_329 = tpu.memref_slice %arg10[%add3A_291, %dma_wait3A_328] : memref<16384x256xf32, #tpu.memory_space<hbm>> -> memref<64x128xf32, #tpu.memory_space<hbm>>
    %dma_wait3A_330 = arith.constant 0 : i32
    %dma_wait3A_331 = tpu.memref_slice %arg10[%add3A_291, %dma_wait3A_330] : memref<16384x256xf32, #tpu.memory_space<hbm>> -> memref<64x128xf32, #tpu.memory_space<hbm>>
    tpu.wait_dma2 semaphore(%arg30 : memref<!tpu.dma_semaphore, #tpu.memory_space<semaphore_mem>>) src(%arg17 : memref<64x128xf32, #tpu.memory_space<vmem>>) dst(%dma_wait3A_331 : memref<64x128xf32, #tpu.memory_space<hbm>>)
    %dma_wait3A_332 = arith.constant 128 : i32
    %dma_wait3A_333 = tpu.memref_slice %arg10[%add3A_291, %dma_wait3A_332] : memref<16384x256xf32, #tpu.memory_space<hbm>> -> memref<64x128xf32, #tpu.memory_space<hbm>>
    %dma_wait3A_334 = arith.constant 128 : i32
    %dma_wait3A_335 = tpu.memref_slice %arg10[%add3A_291, %dma_wait3A_334] : memref<16384x256xf32, #tpu.memory_space<hbm>> -> memref<64x128xf32, #tpu.memory_space<hbm>>
    tpu.wait_dma2 semaphore(%arg30 : memref<!tpu.dma_semaphore, #tpu.memory_space<semaphore_mem>>) src(%arg20 : memref<64x128xf32, #tpu.memory_space<vmem>>) dst(%dma_wait3A_335 : memref<64x128xf32, #tpu.memory_space<hbm>>)
    %dma_wait3A_336 = arith.constant 0 : i32
    %dma_wait3A_337 = tpu.memref_slice %arg10[%add3A_311, %dma_wait3A_336] : memref<16384x256xf32, #tpu.memory_space<hbm>> -> memref<64x128xf32, #tpu.memory_space<hbm>>
    %dma_wait3A_338 = arith.constant 0 : i32
    %dma_wait3A_339 = tpu.memref_slice %arg10[%add3A_311, %dma_wait3A_338] : memref<16384x256xf32, #tpu.memory_space<hbm>> -> memref<64x128xf32, #tpu.memory_space<hbm>>
    tpu.wait_dma2 semaphore(%arg31 : memref<!tpu.dma_semaphore, #tpu.memory_space<semaphore_mem>>) src(%arg18 : memref<64x128xf32, #tpu.memory_space<vmem>>) dst(%dma_wait3A_339 : memref<64x128xf32, #tpu.memory_space<hbm>>)
    %dma_wait3A_340 = arith.constant 128 : i32
    %dma_wait3A_341 = tpu.memref_slice %arg10[%add3A_311, %dma_wait3A_340] : memref<16384x256xf32, #tpu.memory_space<hbm>> -> memref<64x128xf32, #tpu.memory_space<hbm>>
    %dma_wait3A_342 = arith.constant 128 : i32
    %dma_wait3A_343 = tpu.memref_slice %arg10[%add3A_311, %dma_wait3A_342] : memref<16384x256xf32, #tpu.memory_space<hbm>> -> memref<64x128xf32, #tpu.memory_space<hbm>>
    tpu.wait_dma2 semaphore(%arg31 : memref<!tpu.dma_semaphore, #tpu.memory_space<semaphore_mem>>) src(%arg21 : memref<64x128xf32, #tpu.memory_space<vmem>>) dst(%dma_wait3A_343 : memref<64x128xf32, #tpu.memory_space<hbm>>)
    %dma_wait3A_344 = arith.constant 0 : i32
    %dma_wait3A_345 = tpu.memref_slice %arg11[%dma_wait3A_344, %mul3A_2] : memref<62x16384xf32, #tpu.memory_space<hbm>> -> memref<62x512xf32, #tpu.memory_space<hbm>>
    %dma_wait3A_346 = arith.constant 0 : i32
    %dma_wait3A_347 = tpu.memref_slice %arg11[%dma_wait3A_346, %mul3A_2] : memref<62x16384xf32, #tpu.memory_space<hbm>> -> memref<62x512xf32, #tpu.memory_space<hbm>>
    tpu.wait_dma2 semaphore(%arg26 : memref<!tpu.dma_semaphore, #tpu.memory_space<semaphore_mem>>) src(%arg24 : memref<62x512xf32, #tpu.memory_space<vmem>>) dst(%dma_wait3A_347 : memref<62x512xf32, #tpu.memory_space<hbm>>)
    return
  }
}

module attributes {stable_mosaic.version = 14 : i64} {
  func.func @_mlp_body(%arg0: i32, %arg1: memref<4096x256xf32, #tpu.memory_space<vmem>>, %arg2: memref<62x4096xf32, #tpu.memory_space<vmem>>, %arg3: memref<318x256xf32, #tpu.memory_space<vmem>>, %arg4: memref<1x256xf32, #tpu.memory_space<vmem>>, %arg5: memref<256x64xf32, #tpu.memory_space<vmem>>, %arg6: memref<1x64xf32, #tpu.memory_space<vmem>>, %arg7: memref<4096x64xf32, #tpu.memory_space<vmem>>) attributes {dimension_semantics = [#tpu.dimension_semantics<arbitrary>], iteration_bounds = array<i64: 4>, scalar_prefetch = 0 : i64, scratch_operands = 0 : i64, tpu.core_type = #tpu.core_type<tc>, window_params = [{transform_indices = @transform_0, window_bounds = array<i64: 4096, 256>}, {transform_indices = @transform_1, window_bounds = array<i64: 62, 4096>}, {pipeline_mode = #tpu.pipeline_mode<synchronous>, transform_indices = @transform_2, window_bounds = array<i64: 318, 256>}, {pipeline_mode = #tpu.pipeline_mode<synchronous>, transform_indices = @transform_3, window_bounds = array<i64: 1, 256>}, {pipeline_mode = #tpu.pipeline_mode<synchronous>, transform_indices = @transform_4, window_bounds = array<i64: 256, 64>}, {pipeline_mode = #tpu.pipeline_mode<synchronous>, transform_indices = @transform_5, window_bounds = array<i64: 1, 64>}, {transform_indices = @transform_6, window_bounds = array<i64: 4096, 64>}]} {
    %get3A = arith.constant 0 : index
    %get3A_0 = arith.constant 0 : index
    %get3A_1 = vector.load %arg1[%get3A, %get3A_0] : memref<4096x256xf32, #tpu.memory_space<vmem>>, vector<4096x256xf32>
    %get3A_2 = arith.constant 0 : index
    %get3A_3 = arith.constant 0 : index
    %get3A_4 = vector.load %arg3[%get3A_2, %get3A_3] : memref<318x256xf32, #tpu.memory_space<vmem>>, vector<256x256xf32>
    %dot_general3A = arith.constant dense<0.000000e+00> : vector<4096x256xf32>
    %dot_general3A_5 = tpu.matmul %get3A_1, %get3A_4, %dot_general3A {dimension_numbers = #tpu.dot_dimension_numbers<[1], [0], [0], [1], [0, 0, 1, 1], [], []>, transpose_lhs_hint = false} : vector<4096x256xf32>, vector<256x256xf32>, vector<4096x256xf32> -> vector<4096x256xf32>
    %get3A_6 = arith.constant 0 : index
    %get3A_7 = arith.constant 0 : index
    %get3A_8 = vector.load %arg2[%get3A_6, %get3A_7] : memref<62x4096xf32, #tpu.memory_space<vmem>>, vector<62x4096xf32>
    %get3A_9 = arith.constant 256 : index
    %get3A_10 = arith.constant 0 : index
    %get3A_11 = vector.load %arg3[%get3A_9, %get3A_10] : memref<318x256xf32, #tpu.memory_space<vmem>>, vector<62x256xf32>
    %dot_general3A_12 = arith.constant dense<0.000000e+00> : vector<4096x256xf32>
    %dot_general3A_13 = tpu.matmul %get3A_8, %get3A_11, %dot_general3A_12 {dimension_numbers = #tpu.dot_dimension_numbers<[0], [0], [1], [1], [0, 1, 1, 1], [], []>, transpose_lhs_hint = false} : vector<62x4096xf32>, vector<62x256xf32>, vector<4096x256xf32> -> vector<4096x256xf32>
    %add3A = arith.addf %dot_general3A_5, %dot_general3A_13 : vector<4096x256xf32>
    %get3A_14 = arith.constant 0 : index
    %get3A_15 = arith.constant 0 : index
    %get3A_16 = vector.load %arg4[%get3A_14, %get3A_15] : memref<1x256xf32, #tpu.memory_space<vmem>>, vector<1x256xf32>
    %add3A_17 = vector.broadcast %get3A_16 : vector<1x256xf32> to vector<4096x256xf32>
    %add3A_18 = arith.addf %add3A, %add3A_17 : vector<4096x256xf32>
    %max3A = arith.constant 0.000000e+00 : f32
    %max3A_19 = vector.broadcast %max3A : f32 to vector<4096x256xf32>
    %max3A_20 = arith.maximumf %add3A_18, %max3A_19 : vector<4096x256xf32>
    %get3A_21 = arith.constant 0 : index
    %get3A_22 = arith.constant 0 : index
    %get3A_23 = vector.load %arg5[%get3A_21, %get3A_22] : memref<256x64xf32, #tpu.memory_space<vmem>>, vector<256x64xf32>
    %dot_general3A_24 = arith.constant dense<0.000000e+00> : vector<4096x64xf32>
    %dot_general3A_25 = tpu.matmul %max3A_20, %get3A_23, %dot_general3A_24 {dimension_numbers = #tpu.dot_dimension_numbers<[1], [0], [0], [1], [0, 0, 1, 1], [], []>, transpose_lhs_hint = false} : vector<4096x256xf32>, vector<256x64xf32>, vector<4096x64xf32> -> vector<4096x64xf32>
    %get3A_26 = arith.constant 0 : index
    %get3A_27 = arith.constant 0 : index
    %get3A_28 = vector.load %arg6[%get3A_26, %get3A_27] : memref<1x64xf32, #tpu.memory_space<vmem>>, vector<1x64xf32>
    %add3A_29 = vector.broadcast %get3A_28 : vector<1x64xf32> to vector<4096x64xf32>
    %add3A_30 = arith.addf %dot_general3A_25, %add3A_29 : vector<4096x64xf32>
    %max3A_31 = arith.constant 0.000000e+00 : f32
    %max3A_32 = vector.broadcast %max3A_31 : f32 to vector<4096x64xf32>
    %max3A_33 = arith.maximumf %add3A_30, %max3A_32 : vector<4096x64xf32>
    %swap3A = arith.constant 0 : index
    %swap3A_34 = arith.constant 0 : index
    %swap3A_35 = vector.load %arg7[%swap3A, %swap3A_34] : memref<4096x64xf32, #tpu.memory_space<vmem>>, vector<4096x64xf32>
    tpu.vector_store %arg7[%swap3A, %swap3A_34], %max3A_33 {strides = array<i32>} : memref<4096x64xf32, #tpu.memory_space<vmem>>, vector<4096x64xf32>,
    return
  }
  func.func @transform_0(%arg0: i32) -> (i32, i32) {
    %c0_i32 = arith.constant 0 : i32
    %c0_i32_0 = arith.constant 0 : i32
    return %arg0, %c0_i32 : i32, i32
  }
  func.func @transform_1(%arg0: i32) -> (i32, i32) {
    %c0_i32 = arith.constant 0 : i32
    %c0_i32_0 = arith.constant 0 : i32
    return %c0_i32, %arg0 : i32, i32
  }
  func.func @transform_2(%arg0: i32) -> (i32, i32) {
    %c0_i32 = arith.constant 0 : i32
    %c0_i32_0 = arith.constant 0 : i32
    %c0_i32_1 = arith.constant 0 : i32
    return %c0_i32, %c0_i32_0 : i32, i32
  }
  func.func @transform_3(%arg0: i32) -> (i32, i32) {
    %c0_i32 = arith.constant 0 : i32
    %c0_i32_0 = arith.constant 0 : i32
    %c0_i32_1 = arith.constant 0 : i32
    return %c0_i32, %c0_i32_0 : i32, i32
  }
  func.func @transform_4(%arg0: i32) -> (i32, i32) {
    %c0_i32 = arith.constant 0 : i32
    %c0_i32_0 = arith.constant 0 : i32
    %c0_i32_1 = arith.constant 0 : i32
    return %c0_i32, %c0_i32_0 : i32, i32
  }
  func.func @transform_5(%arg0: i32) -> (i32, i32) {
    %c0_i32 = arith.constant 0 : i32
    %c0_i32_0 = arith.constant 0 : i32
    %c0_i32_1 = arith.constant 0 : i32
    return %c0_i32, %c0_i32_0 : i32, i32
  }
  func.func @transform_6(%arg0: i32) -> (i32, i32) {
    %add3A = arith.constant 0 : i32
    %add3A_0 = arith.addi %arg0, %add3A : i32
    %c0_i32 = arith.constant 0 : i32
    %c0_i32_1 = arith.constant 0 : i32
    return %add3A_0, %c0_i32 : i32, i32
  }
}

</mosaic_0001>

<sc_bundles>
// kernel: kernel.4.cloned.1.call-start
scs
__scs_entry_jumppad:
0x0: {  	(pc) =	sbr.rel $0x88, $3  }
0x1: {  	(tag) =	ssettag $0x0;
	lr =	simm.s32 $0x1  }
0x2: {  	[smem:$0x3F93] =	sst lr;
	_ =	strace $0xD0000000  }
0x3: {  	_ = 	snop  }
0x4: {  	_ = 	snop  }
0x5: {  	_ = 	snop  }
0x6: {  	_ = 	snop  }
0x7: {  	_ = 	snop  }
__scs_overlays_trampoline_lowered:
0x8: {  	[smem:$0x3FA2] =	sst s0  }
0x9: {  	[smem:$0x3FA3] =	sst s1  }
0xa: {  	[smem:$0x3FA4] =	sst s2  }
0xb: {  	[smem:$0x3FA5] =	sst s3  }
0xc: {  	[smem:$0x3FA6] =	sst s4  }
0xd: {  	[smem:$0x3FA7] =	sst s5  }
0xe: {  	[smem:$0x3FA8] =	sst s6  }
0xf: {  	[smem:$0x3FA9] =	sst s7  }
0x10: {  	[smem:$0x3FAA] =	sst s8  }
0x11: {  	[smem:$0x3FAB] =	sst s9;
	s0 =	simm.s32 @!p0 $0x0  }
0x12: {  	s1 =	sld [smem:$0x3F91];
	s0 =	simm.s32 @p0 $0x1  }
0x13: {  	[smem:$0x3FAC] =	sst s0;
	s0 =	simm.s32 @!p1 $0x0  }
0x14: {  	s2 =	sld [smem:$0x3F90];
	s0 =	simm.s32 @p1 $0x1  }
0x15: {  	[smem:$0x3FAD] =	sst s0;
	s0 =	simm.s32 @!p2 $0x0  }
0x16: {  	s3 =	sld [smem:$0x3FDB];
	s0 =	simm.s32 @p2 $0x1  }
0x17: {  	s4 =	simm.s32 $0x1BF5;
	[smem:$0x3FAF] =	sst s0  }
0x18: {  	s0 =	sld [smem:$0x3F92];
	_ =	swait.ge [sflag:s4], $0x0  }
0x19: {  	s7 =	sld [smem:$0x3F93]  }
0x1a: {  	s8 =	sadd.s32 $0xFFFFE003, lr  }
0x1b: {  	s9 =	sadd.s32 $0xFFFFFEF7, lr;
	s5 =	simm.s32 $0xFFFFFFFF;
	p2 =	slt.u32 s8, $0xFFFFF086  }
0x1c: {  	p1 =	slt.u32 s9, $0xF7A;
	s5 =	simm.s32 @!p2 $0x0  }
0x1d: {  	s5 =	simm.s32 @p1 $0x1;
	p0 =	seq.s32 s7, s2  }
0x1e: {  	s7 =	smul.u32 @!p0 $0xF7A, s2;
	p2 =	seq.s32 @!p0 s5, $0x0  }
0x1f: {  	s9 =	smul.u32 $0xF7A, s1;
	s8 =	simm.s32 @!p0 $0x1BF5;
	p2 =	por !p2, p0  }
0x20: {  	[sflag:s8] =	ssyncset.s32 @!p0 $0xFFFFF086;
	s6 =	sadd.s32 @!p0 s3, s7;
	s7 =	simm.s32 @!p0 $0x108  }
0x21: {  	s3 =	sadd.s32 s3, s9;
	s6 =	sadd.s32 @!p0 $0x88, s6;
	s7 =	simm.s32 @p2 $0x1082  }
0x22: {  	[simem:s7], [sflag:s8] =	dma.local @!p0 [hbm:s6], $0xF7A  }
0x23: {  	s9 =	sor.u32 $0xD0000000, s2;
	s6 =	simm.s32 $0x108;
	_ =	swait.ge @!p0 [sflag:s8], $0x0  }
0x24: {  	s3 =	sadd.s32 $0x88, s3;
	s6 =	simm.s32 @!p1 $0x1082;
	[sflag:s4] =	ssyncset.s32 $0xFFFFF086  }
0x25: {  	[simem:s6], [sflag:s4] =	dma.local [hbm:s3], $0xF7A  }
0x26: {  	[smem:$0x3F93] =	sst s1;
	(tag) =	ssettag s2;
	_ =	strace s9  }
0x27: {  	s1 =	sld [smem:$0x3FA3]  }
0x28: {  	s2 =	sld [smem:$0x3FA4]  }
0x29: {  	s4 =	sld [smem:$0x3FA6]  }
0x2a: {  	p0 =	seq.s32 s5, $0x0;
	s5 =	sld [smem:$0x3FA7]  }
0x2b: {  	s6 =	sld [smem:$0x3FA8]  }
0x2c: {  	s7 =	sld [smem:$0x3FA9]  }
0x2d: {  	s3 =	simm.s32 $0x108;
	s8 =	sld [smem:$0x3FAA]  }
0x2e: {  	s3 =	simm.s32 @!p0 $0x1082;
	s9 =	sld [smem:$0x3FAB]  }
0x2f: {  	lr =	sadd.s32 s0, s3;
	s0 =	sld [smem:$0x3FA2]  }
0x30: {  	s3 =	sld [smem:$0x3FA5]  }
0x31: {  	[smem:$0x3FAE] =	sst s10  }
0x32: {  	s10 =	sld [smem:$0x3FAC];
	_ =	sdelay $0x3  }
0x33: {  	p0 =	seq.s32 s10, $0x1;
	s10 =	sld [smem:$0x3FAE];
	_ =	sdelay $0x3  }
0x34: {  	[smem:$0x3FAE] =	sst s10  }
0x35: {  	s10 =	sld [smem:$0x3FAD];
	_ =	sdelay $0x3  }
0x36: {  	p1 =	seq.s32 s10, $0x1;
	s10 =	sld [smem:$0x3FAE];
	_ =	sdelay $0x3  }
0x37: {  	[smem:$0x3FAE] =	sst s10  }
0x38: {  	s10 =	sld [smem:$0x3FAF]  }
0x39: {  	_ = 	snop;
	(pc) =	sbr.ind lr, $3  }
0x3a: {  	_ = 	snop  }
0x3b: {  	_ = 	snop  }
0x3c: {  	p2 =	seq.s32 s10, $0x1;
	s10 =	sld [smem:$0x3FAE]  }
0x3d: {  	_ =	shalt  }
0x3e: {  	_ =	shalt  }
0x3f: {  	_ =	shalt  }
0x40: {  	_ =	shalt  }
0x41: {  	_ =	shalt  }
0x42: {  	_ =	shalt  }
0x43: {  	_ =	shalt  }
0x44: {  	_ =	shalt  }
0x45: {  	_ =	shalt  }
0x46: {  	_ =	shalt  }
0x47: {  	_ =	shalt  }
0x48: {  	_ =	shalt  }
0x49: {  	_ =	shalt  }
0x4a: {  	_ =	shalt  }
0x4b: {  	_ =	shalt  }
0x4c: {  	_ =	shalt  }
0x4d: {  	_ =	shalt  }
0x4e: {  	_ =	shalt  }
0x4f: {  	_ =	shalt  }
0x50: {  	_ =	shalt  }
0x51: {  	_ =	shalt  }
0x52: {  	_ =	shalt  }
0x53: {  	_ =	shalt  }
0x54: {  	_ =	shalt  }
0x55: {  	_ =	shalt  }
0x56: {  	_ =	shalt  }
0x57: {  	_ =	shalt  }
0x58: {  	_ =	shalt  }
0x59: {  	_ =	shalt  }
0x5a: {  	_ =	shalt  }
0x5b: {  	_ =	shalt  }
0x5c: {  	_ =	shalt  }
0x5d: {  	_ =	shalt  }
0x5e: {  	_ =	shalt  }
0x5f: {  	_ =	shalt  }
0x60: {  	_ =	shalt  }
0x61: {  	_ =	shalt  }
0x62: {  	_ =	shalt  }
0x63: {  	_ =	shalt  }
0x64: {  	_ =	shalt  }
0x65: {  	_ =	shalt  }
0x66: {  	_ =	shalt  }
0x67: {  	_ =	shalt  }
0x68: {  	_ =	shalt  }
0x69: {  	_ =	shalt  }
0x6a: {  	_ =	shalt  }
0x6b: {  	_ =	shalt  }
0x6c: {  	_ =	shalt  }
0x6d: {  	_ =	shalt  }
0x6e: {  	_ =	shalt  }
0x6f: {  	_ =	shalt  }
0x70: {  	_ =	shalt  }
0x71: {  	_ =	shalt  }
0x72: {  	_ =	shalt  }
0x73: {  	_ =	shalt  }
0x74: {  	_ =	shalt  }
0x75: {  	_ =	shalt  }
0x76: {  	_ =	shalt  }
0x77: {  	_ =	shalt  }
0x78: {  	_ =	shalt  }
0x79: {  	_ =	shalt  }
0x7a: {  	_ =	shalt  }
0x7b: {  	_ =	shalt  }
0x7c: {  	_ =	shalt  }
0x7d: {  	_ =	shalt  }
0x7e: {  	_ =	shalt  }
0x7f: {  	_ =	shalt  }
0x80: {  	_ =	shalt  }
0x81: {  	_ =	shalt  }
0x82: {  	_ =	shalt  }
0x83: {  	_ =	shalt  }
0x84: {  	_ =	shalt  }
0x85: {  	_ =	shalt  }
0x86: {  	_ =	shalt  }
0x87: {  	_ =	shalt  }
.Lfunc_end0:
.L_simem_size_0:
called_computation_lowered:
.L_overlay_start_0:
0x88: {  	s2 =	sld [smem:$0x3FD9]  }
0x89: {  	s3 =	sld [smem:$0x3FFE];
	_ =	sdelay $0x1  }
0x8a: {  	s1 =	srdreg.scid  }
0x8b: {  	s0 =	sand.u32 $0x1, s1  }
0x8c: {  	s17 =	sshll.u32 s0, $0xA;
	s2 =	sadd.s32 s3, s2  }
0x8d: {  	s2 =	sadd.s32 s2, s17  }
0x8e: {  	[smem:$0x3FBA] =	sst s2  }
0x8f: {  	_ = 	snop  }
0x90: {  	s2 =	sld [smem:$0x3FC9]  }
0x91: {  	s18 =	sld [smem:$0x3FC8]  }
0x92: {  	s4 =	sld [smem:$0x3FC7]  }
0x93: {  	s5 =	sld [smem:$0x3FC6]  }
0x94: {  	s6 =	sld [smem:$0x3FC5]  }
0x95: {  	s7 =	sld [smem:$0x3FC4]  }
0x96: {  	s8 =	sld [smem:$0x3FC3]  }
0x97: {  	s9 =	sld [smem:$0x3FD0];
	(tm) =	ssettm $0x1  }
0x98: {  	s10 =	sld [smem:$0x3FFB];
	_ =	sdelay $0x3  }
0x99: {  	_ =	strace s10  }
0x9a: {  	s10 =	sld [smem:$0x3FFC];
	_ =	sdelay $0x3  }
0x9b: {  	_ =	strace s10  }
0x9c: {  	s10 =	sld [smem:$0x3FFD];
	_ =	sdelay $0x3  }
0x9d: {  	_ =	strace s10  }
0x9e: {  	_ =	strace $0x8FFFFFFF  }
0x9f: {  	s19 =	sld [smem:$0x3FDB];
	_ =	sdelay $0x1  }
0xa0: {  	s11 =	simm.s32 $_scs_section_size  }
0xa1: {  	s12 =	simm.s32 $_size__tile_overlayer_lowered;
	s13 =	simm.s32 $_tile_overlayer_lowered  }
0xa2: {  	s22 =	simm.s32 $0x1BFF;
	s21 =	sshll.u32 s13, $0x1;
	s10 =	sadd.s32 s11, s19  }
0xa3: {  	s14 =	simm.s32 $0x0;
	s20 =	sshll.u32 s12, $0x1;
	s12 =	sadd.s32 s21, s10  }
0xa4: {  	[timem:s14], [sflag:s22] =	dma.local [hbm:s12], s20  }
0xa5: {  	_ =	swait.ge [sflag:s22], s20  }
0xa6: {  	s11 =	ssub.s32 $0x0, s20;
	[sflag:s22] =	ssyncset.done $0x0  }
0xa7: {  	[sflag:s22] =	ssyncadd.s32 s11;
	_ =	sdelay $0x1  }
0xa8: {  	s23 =	simm.s32 $0x1B8B  }
0xa9: {  	_ =	swait.ge [sflag:s23], $0x1  }
0xaa: {  	[sflag:s23] =	ssyncset.done $0x0  }
0xab: {  	s25 =	simm.s32 $0x1B8E;
	s24 =	sld [smem:$0x3FFE];
	[sflag:s23] =	ssyncadd.s32 $0xFFFFFFFF  }
0xac: {  	s26 =	simm.s32 $execute0_lowered;
	[smem:$0x3FD2] =	sst s25  }
0xad: {  	s12 =	sshll.u32 s26, $0x1;
	_ =	strace $0x80000046;
	[dreg:$0x1] =	wrdreg $0xFFFFFFFF  }
0xae: {  	s28 =	simm.s32 $_size_execute0_lowered;
	s10 =	sadd.s32 s10, s12;
	[dreg:$0x0] =	wrdreg $0x0  }
0xaf: {  	s12 =	sshll.u32 s28, $0x1;
	[dreg:$0x2] =	wrdreg s10  }
0xb0: {  	[dreg:$0x3] =	wrdreg s12  }
0xb1: {  	[dreg:$0x4] =	wrdreg $0xC0  }
0xb2: {  	_ =	task [dreg:s14], $0x5FFFF  }
0xb3: {  	[dreg:$0x1] =	wrdreg $0xFFFFFFFF  }
0xb4: {  	[dreg:$0x0] =	wrdreg $0x60  }
0xb5: {  	[dreg:$0x2] =	wrdreg s2  }
0xb6: {  	[dreg:$0x3] =	wrdreg s18  }
0xb7: {  	[dreg:$0x4] =	wrdreg s4  }
0xb8: {  	[dreg:$0x5] =	wrdreg s5  }
0xb9: {  	[dreg:$0x6] =	wrdreg s6  }
0xba: {  	[dreg:$0x7] =	wrdreg s7  }
0xbb: {  	[dreg:$0x8] =	wrdreg s8  }
0xbc: {  	[dreg:$0x9] =	wrdreg s24  }
0xbd: {  	[dreg:$0xa] =	wrdreg s9  }
0xbe: {  	[dreg:$0xb] =	wrdreg $0x9  }
0xbf: {  	_ =	task.clear_ibuf [dreg:s14], $0xCFFFF;
	_ =	strace $0x90000046  }
0xc0: {  	s29 =	simm.s32 $0x9;
	_ =	strace $0x80000048  }
0xc1: {  	_ =	swait.ge [sflag:s29], $0x1  }
0xc2: {  	[sflag:s29] =	ssyncadd.s32 $0xFFFFFFFF  }
0xc3: {  	_ =	strace $0x90000048  }
0xc4: {  	_ =	sfence  }
0xc5: {  	s30 =	sld [smem:$0x0];
	_ =	sdelay $0x2  }
0xc6: {  	s31 =	sshll.u32 s1, $0xD;
	s1 =	sshrl.u32 s1, $0x2  }
0xc7: {  	s3 =	sand.u32 $0x4000, s31;
	s1 =	sadd.s32 s1, s30  }
0xc8: {  	s0 =	sor.u32 s3, s0;
	s1 =	sshll.u32 s1, $0x11  }
0xc9: {  	s0 =	sor.u32 s1, s0  }
0xca: {  	s0 =	sadd.s32 $0x8F2B, s0  }
0xcb: {  	[sflag:s0] =	ssyncadd.remote.s32 $0x1  }
0xcc: {  	_ =	sfence.sel $0xFFFF  }
0xcd: {  	[dreg:$0x0] =	wrdreg $0xFFFFFFFF;
	(pc) =	sbr.abs _section_cstart, $3  }
0xce: {  	[dreg:$0x1] =	wrdreg $0xFFFFFFFF  }
0xcf: {  	_ =	task.clear_ibuf [dreg:s14], $0x2FFFF;
	_ =	strace $0x9FFFFFFF  }
0xd0: {  	(tm) =	ssettm $0x7FFFFFFF  }
0xd1: {  	_ =	shalt  }
tec
execute0_lowered:
.L_overlay_start_1:
0x0: {  	(tag) =	ssettag $0x1  }
0x1: {  	s0 =	rddreg [dreg:$0x0]  }
0x2: {  	s3 =	rddreg [dreg:$0x1]  }
0x3: {  	s5 =	rddreg [dreg:$0x2]  }
0x4: {  	s6 =	rddreg [dreg:$0x3]  }
0x5: {  	s7 =	rddreg [dreg:$0x4]  }
0x6: {  	s1 =	rddreg [dreg:$0x5]  }
0x7: {  	s2 =	rddreg [dreg:$0x6]  }
0x8: {  	s8 =	rddreg [dreg:$0x7]  }
0x9: {  	s9 =	rddreg [dreg:$0x8];
	s10 =	srdreg.scid  }
0xa: {  	s4 =	simm.s32 $0x0;
	s11 =	stileid.u32;
	s10 =	sand.u32 $0x1, s10  }
0xb: {  	[smem:$0x7FF] =	sst s4;
	s11 =	sshll.u32 s11, $0xA;
	s12 =	sshll.u32 s10, $0x9  }
0xc: {  	s25 =	sadd.s32 $0x1200, s8;
	_ =	strace $0x80000047;
	s11 =	sor.u32 s12, s11  }
0xd: {  	[dreg:$0xa] =	wrdreg s25;
	s13 =	sshrl.u32 s11, $0x3;
	s12 =	sadd.s32 s9, s11  }
0xe: {  	s0 =	sadd.s32 s0, s13;
	[dreg:$0x10] =	wrdreg s12  }
0xf: {  	s3 =	sadd.s32 s3, s13;
	[dreg:$0xb] =	wrdreg s0  }
0x10: {  	s31 =	simm.s32 $0xCA00;
	s5 =	sadd.s32 s5, s13;
	[dreg:$0xc] =	wrdreg s3  }
0x11: {  	s26 =	sshll.u32 s11, $0x5;
	s6 =	sadd.s32 s6, s13;
	[dreg:$0xd] =	wrdreg s5  }
0x12: {  	s8 =	sadd.s32 s26, s8;
	s7 =	sadd.s32 s7, s13;
	[dreg:$0xe] =	wrdreg s6  }
0x13: {  	s10 =	ssub.s32 $0x2, s10;
	[dreg:$0xf] =	wrdreg s7;
	s13 =	sadd.s32 $0x1800, s8  }
0x14: {  	s30 =	sshrl.u32 s10, $0x1;
	s14 =	sadd.s32 $0x1880, s8;
	[dreg:$0x11] =	wrdreg s13  }
0x15: {  	s10 =	ssub.s32 s10, s30;
	s15 =	sadd.s32 $0x2000, s8;
	[dreg:$0x12] =	wrdreg s14  }
0x16: {  	s9 =	simm.s32 $0x4A00;
	s16 =	sadd.s32 $0x2080, s8;
	[dreg:$0x13] =	wrdreg s15  }
0x17: {  	s11 =	simm.s32 $0x3;
	s17 =	sadd.s32 $0x2800, s8;
	[dreg:$0x14] =	wrdreg s16  }
0x18: {  	s29 =	smax.u32 s10, $0x1;
	s18 =	sadd.s32 $0x2880, s8;
	[dreg:$0x15] =	wrdreg s17  }
0x19: {  	s10 =	simm.s32 $0xAA00;
	s19 =	sadd.s32 $0x3000, s8;
	[dreg:$0x16] =	wrdreg s18  }
0x1a: {  	s12 =	simm.s32 $0x400;
	s20 =	sadd.s32 $0x3080, s8;
	[dreg:$0x17] =	wrdreg s19  }
0x1b: {  	s21 =	sadd.s32 $0x3800, s8;
	s22 =	sadd.s32 $0x3880, s8;
	[dreg:$0x18] =	wrdreg s20  }
0x1c: {  	s23 =	sadd.s32 $0x4000, s8;
	s24 =	sadd.s32 $0x4080, s8;
	[dreg:$0x19] =	wrdreg s21  }
0x1d: {  	s25 =	sadd.s32 $0x4800, s8;
	s26 =	sadd.s32 $0x4880, s8;
	[dreg:$0x1a] =	wrdreg s22  }
0x1e: {  	s30 =	sadd.s32 $0x5000, s8;
	s28 =	sadd.s32 $0x5080, s8;
	[dreg:$0x1b] =	wrdreg s23  }
0x1f: {  	s0 =	simm.s32 $0x1;
	s3 =	simm.s32 $0x40;
	[dreg:$0x1c] =	wrdreg s24  }
0x20: {  	s5 =	simm.s32 $0xA00;
	s6 =	simm.s32 $0x6A00;
	[dreg:$0x1d] =	wrdreg s25  }
0x21: {  	s7 =	simm.s32 $0x2A00;
	s8 =	simm.s32 $0x8A00;
	[dreg:$0x1e] =	wrdreg s26  }
0x22: {  	[dreg:$0x1f] =	wrdreg s30;
	s13 =	simm.s32 $0x800;
	s14 =	simm.s32 $0x6  }
0x23: {  	s15 =	simm.s32 $0x4;
	s16 =	simm.s32 $0x7;
	s17 =	simm.s32 $0x5  }
0x24: {  	s18 =	simm.s32 $0x8;
	s19 =	simm.s32 $0x2;
	s20 =	simm.s32 $0x0  }
.LBB2_1:
0x25: {  	s21 =	rddreg [dreg:$0xb]  }
0x26: {  	[tilespmem:s4], [sflag:$0x1] =	stream.linear.gather [hbm4b:s21+s4], $0x200, $0x38;
	[tilespmem:$0x17500] =	vst v63  }
0x27: {  	s22 =	rddreg [dreg:$0xc];
	s23 =	simm.s32 $0x200  }
0x28: {  	[tilespmem:s23], [sflag:$0x1] =	stream.linear.gather [hbm4b:s22+s4], $0x200, $0x38;
	[tilespmem:$0x17500] =	vst v63  }
0x29: {  	s24 =	rddreg [dreg:$0xd]  }
0x2a: {  	[tilespmem:s12], [sflag:$0x1] =	stream.linear.gather [hbm4b:s24+s4], $0x200, $0x38;
	[tilespmem:$0x17500] =	vst v63  }
0x2b: {  	s21 =	simm.s32 $0x600;
	s22 =	rddreg [dreg:$0xe]  }
0x2c: {  	[tilespmem:s21], [sflag:$0x1] =	stream.linear.gather [hbm4b:s22+s4], $0x200, $0x38;
	[tilespmem:$0x17500] =	vst v63  }
0x2d: {  	s25 =	rddreg [dreg:$0xf]  }
0x2e: {  	[tilespmem:s13], [sflag:$0x1] =	stream.linear.gather [hbm4b:s25+s4], $0x200, $0x38;
	[tilespmem:$0x17500] =	vst v63  }
0x2f: {  	s26 =	rddreg [dreg:$0xa]  }
0x30: {  	[tilespmem:s31], [sflag:$0x1] =	stream.linear.gather [hbm4b:s26+s4], $0x2B00, $0x38;
	[tilespmem:$0x17500] =	vst v63  }
0x31: {  	_ =	swait.ge [sflag:s0], $0x200  }
0x32: {  	[sflag:s0] =	ssyncset.done $0x0  }
0x33: {  	[sflag:s0] =	ssyncadd.s32 $0xFFFFFE00  }
0x34: {  	_ =	swait.ge [sflag:s0], $0x200  }
0x35: {  	[sflag:s0] =	ssyncset.done $0x0  }
0x36: {  	[sflag:s0] =	ssyncadd.s32 $0xFFFFFE00  }
0x37: {  	[tilespmem:s5], [sflag:$0x3] =	stream.indirect.gather [hbm4b:s1+s3], $0x80, s4, s3, $0xb8;
	[tilespmem:$0x17500] =	vst v63  }
0x38: {  	_ = 	snop  }
0x39: {  	[tilespmem:s6], [sflag:$0x3] =	stream.indirect.gather [hbm4b:s2+s3], $0x80, s23, s3, $0xb8;
	[tilespmem:$0x17500] =	vst v63  }
0x3a: {  	_ = 	snop  }
0x3b: {  	[tilespmem:s7], [sflag:$0x4] =	stream.indirect.gather [hbm4b:s1+s3], $0x80, s3, s3, $0xb8;
	[tilespmem:$0x17500] =	vst v63  }
0x3c: {  	s24 =	simm.s32 $0x240  }
0x3d: {  	[tilespmem:s8], [sflag:$0x4] =	stream.indirect.gather [hbm4b:s2+s3], $0x80, s24, s3, $0xb8;
	[tilespmem:$0x17500] =	vst v63  }
0x3e: {  	s25 =	simm.s32 $0x80  }
0x3f: {  	[tilespmem:s9], [sflag:$0x5] =	stream.indirect.gather [hbm4b:s1+s3], $0x80, s25, s3, $0xb8;
	[tilespmem:$0x17500] =	vst v63  }
0x40: {  	s26 =	simm.s32 $0x280  }
0x41: {  	[tilespmem:s10], [sflag:$0x5] =	stream.indirect.gather [hbm4b:s2+s3], $0x80, s26, s3, $0xb8;
	[tilespmem:$0x17500] =	vst v63  }
0x42: {  	_ =	swait.ge [sflag:s0], $0x200  }
0x43: {  	[sflag:s0] =	ssyncset.done $0x0  }
0x44: {  	[sflag:s0] =	ssyncadd.s32 $0xFFFFFE00  }
0x45: {  	_ =	swait.ge [sflag:s0], $0x200  }
0x46: {  	[sflag:s0] =	ssyncset.done $0x0  }
0x47: {  	[sflag:s0] =	ssyncadd.s32 $0xFFFFFE00  }
0x48: {  	_ =	swait.ge [sflag:s0], $0x200  }
0x49: {  	[sflag:s0] =	ssyncset.done $0x0  }
0x4a: {  	[sflag:s0] =	ssyncadd.s32 $0xFFFFFE00  }
0x4b: {  	_ =	swait.ge [sflag:s0], $0x2B00  }
0x4c: {  	s30 =	simm.s32 $0x400;
	s22 =	simm.s32 $0x800;
	[sflag:s0] =	ssyncset.done $0x0  }
0x4d: {  	s23 =	simm.s32 $0x0;
	s24 =	simm.s32 $0x0;
	[sflag:s0] =	ssyncadd.s32 $0xFFFFD500  }
.LBB2_2:
0x4e: {  	v0 =	vld [tilespmem:s30+$0x0];
	_ =	sdelay $0x4  }
0x4f: {  	v0 =	vmul.u32 $0x15, v0;
	_ =	sdelay $0x1  }
0x50: {  	v1 =	vadd.s32 $0x1, v0  }
0x51: {  	v2 =	vadd.s32 $0x2, v0  }
0x52: {  	v3 =	vld [tilespmem:s21+$0x0];
	v4 =	vadd.s32 $0x3, v0  }
0x53: {  	v5 =	vld [tilespmem:s22+$0x0];
	v6 =	vadd.s32 $0x4, v0  }
0x54: {  	v7 =	vadd.s32 $0x5, v0;
	v8 =	vld.idx.msk [tilespmem:v0+s31+$0x0], $0xffff  }
0x55: {  	v9 =	vadd.s32 $0x6, v0;
	v1 =	vld.idx.msk [tilespmem:v1+s31+$0x0], $0xffff  }
0x56: {  	v10 =	vadd.s32 $0x7, v0;
	v2 =	vld.idx.msk [tilespmem:v2+s31+$0x0], $0xffff  }
0x57: {  	v4 =	vld.idx.msk [tilespmem:v4+s31+$0x0], $0xffff  }
0x58: {  	v6 =	vld.idx.msk [tilespmem:v6+s31+$0x0], $0xffff  }
0x59: {  	s25 =	sand.u32 $0x70, s24;
	s26 =	sand.u32 $0xC00, s23;
	v7 =	vld.idx.msk [tilespmem:v7+s31+$0x0], $0xffff  }
0x5a: {  	s25 =	sor.u32 s25, s26;
	v9 =	vld.idx.msk [tilespmem:v9+s31+$0x0], $0xffff  }
0x5b: {  	v10 =	vld.idx.msk [tilespmem:v10+s31+$0x0], $0xffff;
	[tilespmem:s25+$0xF500] =	vst v8  }
0x5c: {  	[tilespmem:s25+$0xF580] =	vst v1  }
0x5d: {  	[tilespmem:s25+$0xF600] =	vst v2  }
0x5e: {  	v13 =	vadd.s32 $0x8, v0;
	[tilespmem:s25+$0xF680] =	vst v4  }
0x5f: {  	v14 =	vadd.s32 $0x9, v0;
	[tilespmem:s25+$0xF700] =	vst v6  }
0x60: {  	s26 =	sor.u32 s23, s24;
	v15 =	vadd.s32 $0xA, v0;
	[tilespmem:s25+$0xF780] =	vst v7  }
0x61: {  	s26 =	sor.u32 $0x380, s26;
	v16 =	vadd.s32 $0xB, v0;
	[tilespmem:s25+$0xF800] =	vst v9  }
0x62: {  	v17 =	vadd.s32 $0xC, v0;
	[tilespmem:s26+$0xF500] =	vst v10  }
0x63: {  	v18 =	vadd.s32 $0xD, v0;
	v1 =	vld.idx.msk [tilespmem:v13+s31+$0x0], $0xffff  }
0x64: {  	v19 =	vadd.s32 $0xE, v0;
	v2 =	vld.idx.msk [tilespmem:v14+s31+$0x0], $0xffff  }
0x65: {  	v20 =	vadd.s32 $0xF, v0;
	v4 =	vld.idx.msk [tilespmem:v15+s31+$0x0], $0xffff  }
0x66: {  	v6 =	vld.idx.msk [tilespmem:v16+s31+$0x0], $0xffff  }
0x67: {  	v7 =	vld.idx.msk [tilespmem:v17+s31+$0x0], $0xffff  }
0x68: {  	v8 =	vld.idx.msk [tilespmem:v18+s31+$0x0], $0xffff  }
0x69: {  	v9 =	vld.idx.msk [tilespmem:v19+s31+$0x0], $0xffff  }
0x6a: {  	v10 =	vld.idx.msk [tilespmem:v20+s31+$0x0], $0xffff;
	[tilespmem:s25+$0x10500] =	vst v1  }
0x6b: {  	[tilespmem:s25+$0x10580] =	vst v2  }
0x6c: {  	[tilespmem:s25+$0x10600] =	vst v4  }
0x6d: {  	v21 =	vadd.s32 $0x10, v0;
	[tilespmem:s25+$0x10680] =	vst v6  }
0x6e: {  	v22 =	vadd.s32 $0x11, v0;
	[tilespmem:s25+$0x10700] =	vst v7  }
0x6f: {  	v23 =	vadd.s32 $0x12, v0;
	[tilespmem:s25+$0x10780] =	vst v8  }
0x70: {  	v3 =	vmul.u32 $0x11, v3;
	v24 =	vadd.s32 $0x13, v0;
	[tilespmem:s25+$0x10800] =	vst v9  }
0x71: {  	v0 =	vadd.s32 $0x14, v0;
	[tilespmem:s25+$0x10880] =	vst v10  }
0x72: {  	v25 =	vadd.s32 $0xAE9, v3;
	v1 =	vld.idx.msk [tilespmem:v21+s31+$0x0], $0xffff  }
0x73: {  	v26 =	vadd.s32 $0xAEA, v3;
	v2 =	vld.idx.msk [tilespmem:v22+s31+$0x0], $0xffff  }
0x74: {  	v27 =	vadd.s32 $0xAEB, v3;
	v4 =	vld.idx.msk [tilespmem:v23+s31+$0x0], $0xffff  }
0x75: {  	v6 =	vld.idx.msk [tilespmem:v24+s31+$0x0], $0xffff  }
0x76: {  	v0 =	vld.idx.msk [tilespmem:v0+s31+$0x0], $0xffff  }
0x77: {  	v7 =	vld.idx.msk [tilespmem:v25+s31+$0x0], $0xffff  }
0x78: {  	v8 =	vld.idx.msk [tilespmem:v26+s31+$0x0], $0xffff  }
0x79: {  	v9 =	vld.idx.msk [tilespmem:v27+s31+$0x0], $0xffff;
	[tilespmem:s25+$0x11500] =	vst v1  }
0x7a: {  	[tilespmem:s25+$0x11580] =	vst v2  }
0x7b: {  	[tilespmem:s25+$0x11600] =	vst v4  }
0x7c: {  	v28 =	vadd.s32 $0xAEC, v3;
	[tilespmem:s25+$0x11680] =	vst v6  }
0x7d: {  	v29 =	vadd.s32 $0xAED, v3;
	[tilespmem:s25+$0x11700] =	vst v0  }
0x7e: {  	v30 =	vadd.s32 $0xAEE, v3;
	[tilespmem:s25+$0x11780] =	vst v7  }
0x7f: {  	v31 =	vadd.s32 $0xAEF, v3;
	[tilespmem:s25+$0x11800] =	vst v8  }
0x80: {  	v32 =	vadd.s32 $0xAF0, v3;
	[tilespmem:s25+$0x11880] =	vst v9  }
0x81: {  	v33 =	vadd.s32 $0xAF1, v3;
	v1 =	vld.idx.msk [tilespmem:v28+s31+$0x0], $0xffff  }
0x82: {  	v34 =	vadd.s32 $0xAF2, v3;
	v2 =	vld.idx.msk [tilespmem:v29+s31+$0x0], $0xffff  }
0x83: {  	v35 =	vadd.s32 $0xAF3, v3;
	v0 =	vld.idx.msk [tilespmem:v30+s31+$0x0], $0xffff  }
0x84: {  	v4 =	vld.idx.msk [tilespmem:v31+s31+$0x0], $0xffff  }
0x85: {  	v6 =	vld.idx.msk [tilespmem:v32+s31+$0x0], $0xffff  }
0x86: {  	v7 =	vld.idx.msk [tilespmem:v33+s31+$0x0], $0xffff  }
0x87: {  	v8 =	vld.idx.msk [tilespmem:v34+s31+$0x0], $0xffff  }
0x88: {  	v9 =	vld.idx.msk [tilespmem:v35+s31+$0x0], $0xffff;
	[tilespmem:s25+$0x12500] =	vst v1  }
0x89: {  	[tilespmem:s25+$0x12580] =	vst v2  }
0x8a: {  	[tilespmem:s25+$0x12600] =	vst v0  }
0x8b: {  	v36 =	vadd.s32 $0xAF4, v3;
	[tilespmem:s25+$0x12680] =	vst v4  }
0x8c: {  	v37 =	vadd.s32 $0xAF5, v3;
	[tilespmem:s25+$0x12700] =	vst v6  }
0x8d: {  	v38 =	vadd.s32 $0xAF6, v3;
	[tilespmem:s25+$0x12780] =	vst v7  }
0x8e: {  	v39 =	vadd.s32 $0xAF7, v3;
	[tilespmem:s25+$0x12800] =	vst v8  }
0x8f: {  	v5 =	vmul.u32 $0x18, v5;
	v40 =	vadd.s32 $0xAF8, v3;
	[tilespmem:s25+$0x12880] =	vst v9  }
0x90: {  	v3 =	vadd.s32 $0xAF9, v3;
	v0 =	vld.idx.msk [tilespmem:v36+s31+$0x0], $0xffff  }
0x91: {  	v41 =	vadd.s32 $0xE4C, v5;
	v1 =	vld.idx.msk [tilespmem:v37+s31+$0x0], $0xffff  }
0x92: {  	v42 =	vadd.s32 $0xE4D, v5;
	v2 =	vld.idx.msk [tilespmem:v38+s31+$0x0], $0xffff  }
0x93: {  	v4 =	vld.idx.msk [tilespmem:v39+s31+$0x0], $0xffff  }
0x94: {  	v6 =	vld.idx.msk [tilespmem:v40+s31+$0x0], $0xffff  }
0x95: {  	v3 =	vld.idx.msk [tilespmem:v3+s31+$0x0], $0xffff  }
0x96: {  	v7 =	vld.idx.msk [tilespmem:v41+s31+$0x0], $0xffff  }
0x97: {  	v8 =	vld.idx.msk [tilespmem:v42+s31+$0x0], $0xffff;
	[tilespmem:s25+$0x13500] =	vst v0  }
0x98: {  	[tilespmem:s25+$0x13580] =	vst v1  }
0x99: {  	[tilespmem:s25+$0x13600] =	vst v2  }
0x9a: {  	v43 =	vadd.s32 $0xE4E, v5;
	[tilespmem:s25+$0x13680] =	vst v4  }
0x9b: {  	v44 =	vadd.s32 $0xE4F, v5;
	[tilespmem:s25+$0x13700] =	vst v6  }
0x9c: {  	v45 =	vadd.s32 $0xE50, v5;
	[tilespmem:s25+$0x13780] =	vst v3  }
0x9d: {  	v46 =	vadd.s32 $0xE51, v5;
	[tilespmem:s25+$0x13800] =	vst v7  }
0x9e: {  	v47 =	vadd.s32 $0xE52, v5;
	[tilespmem:s25+$0x13880] =	vst v8  }
0x9f: {  	v48 =	vadd.s32 $0xE53, v5;
	v0 =	vld.idx.msk [tilespmem:v43+s31+$0x0], $0xffff  }
0xa0: {  	v49 =	vadd.s32 $0xE54, v5;
	v1 =	vld.idx.msk [tilespmem:v44+s31+$0x0], $0xffff  }
0xa1: {  	v50 =	vadd.s32 $0xE55, v5;
	v2 =	vld.idx.msk [tilespmem:v45+s31+$0x0], $0xffff  }
0xa2: {  	v3 =	vld.idx.msk [tilespmem:v46+s31+$0x0], $0xffff  }
0xa3: {  	v4 =	vld.idx.msk [tilespmem:v47+s31+$0x0], $0xffff  }
0xa4: {  	v6 =	vld.idx.msk [tilespmem:v48+s31+$0x0], $0xffff  }
0xa5: {  	v7 =	vld.idx.msk [tilespmem:v49+s31+$0x0], $0xffff  }
0xa6: {  	v8 =	vld.idx.msk [tilespmem:v50+s31+$0x0], $0xffff;
	[tilespmem:s25+$0x14500] =	vst v0  }
0xa7: {  	[tilespmem:s25+$0x14580] =	vst v1  }
0xa8: {  	[tilespmem:s25+$0x14600] =	vst v2  }
0xa9: {  	v51 =	vadd.s32 $0xE56, v5;
	[tilespmem:s25+$0x14680] =	vst v3  }
0xaa: {  	v52 =	vadd.s32 $0xE57, v5;
	[tilespmem:s25+$0x14700] =	vst v4  }
0xab: {  	v53 =	vadd.s32 $0xE58, v5;
	[tilespmem:s25+$0x14780] =	vst v6  }
0xac: {  	v54 =	vadd.s32 $0xE59, v5;
	[tilespmem:s25+$0x14800] =	vst v7  }
0xad: {  	v55 =	vadd.s32 $0xE5A, v5;
	[tilespmem:s25+$0x14880] =	vst v8  }
0xae: {  	v56 =	vadd.s32 $0xE5B, v5;
	v0 =	vld.idx.msk [tilespmem:v51+s31+$0x0], $0xffff  }
0xaf: {  	v57 =	vadd.s32 $0xE5C, v5;
	v1 =	vld.idx.msk [tilespmem:v52+s31+$0x0], $0xffff  }
0xb0: {  	v58 =	vadd.s32 $0xE5D, v5;
	v2 =	vld.idx.msk [tilespmem:v53+s31+$0x0], $0xffff  }
0xb1: {  	v3 =	vld.idx.msk [tilespmem:v54+s31+$0x0], $0xffff  }
0xb2: {  	v4 =	vld.idx.msk [tilespmem:v55+s31+$0x0], $0xffff  }
0xb3: {  	v6 =	vld.idx.msk [tilespmem:v56+s31+$0x0], $0xffff  }
0xb4: {  	v7 =	vld.idx.msk [tilespmem:v57+s31+$0x0], $0xffff  }
0xb5: {  	v8 =	vld.idx.msk [tilespmem:v58+s31+$0x0], $0xffff;
	[tilespmem:s25+$0x15500] =	vst v0  }
0xb6: {  	[tilespmem:s25+$0x15580] =	vst v1  }
0xb7: {  	[tilespmem:s25+$0x15600] =	vst v2  }
0xb8: {  	v59 =	vadd.s32 $0xE5E, v5;
	[tilespmem:s25+$0x15680] =	vst v3  }
0xb9: {  	v60 =	vadd.s32 $0xE5F, v5;
	[tilespmem:s25+$0x15700] =	vst v4  }
0xba: {  	v61 =	vadd.s32 $0xE60, v5;
	[tilespmem:s25+$0x15780] =	vst v6  }
0xbb: {  	v62 =	vadd.s32 $0xE61, v5;
	[tilespmem:s25+$0x15800] =	vst v7  }
0xbc: {  	v63 =	vadd.s32 $0xE62, v5;
	[tilespmem:s25+$0x15880] =	vst v8  }
0xbd: {  	v5 =	vadd.s32 $0xE63, v5;
	v0 =	vld.idx.msk [tilespmem:v59+s31+$0x0], $0xffff  }
0xbe: {  	v1 =	vld.idx.msk [tilespmem:v60+s31+$0x0], $0xffff  }
0xbf: {  	v2 =	vld.idx.msk [tilespmem:v61+s31+$0x0], $0xffff  }
0xc0: {  	v3 =	vld.idx.msk [tilespmem:v62+s31+$0x0], $0xffff  }
0xc1: {  	v4 =	vld.idx.msk [tilespmem:v63+s31+$0x0], $0xffff  }
0xc2: {  	p0 =	sne.s32 s24, $0x1F0;
	v5 =	vld.idx.msk [tilespmem:v5+s31+$0x0], $0xffff;
	[tilespmem:s25+$0x16500] =	vst v0  }
.Ltmp0:
0xc3: {  	[tilespmem:s25+$0x16580] =	vst v1;
	(pc) =	sbr.rel @p0 .LBB2_2-.Ltmp0, $4  }
0xc4: {  	[tilespmem:s25+$0x16600] =	vst v2  }
0xc5: {  	[tilespmem:s25+$0x16680] =	vst v3  }
0xc6: {  	s30 =	sadd.s32 $0x10, s30;
	s21 =	sadd.s32 $0x10, s21;
	[tilespmem:s25+$0x16700] =	vst v4  }
0xc7: {  	s22 =	sadd.s32 $0x10, s22;
	s23 =	sadd.s32 $0x80, s23;
	s24 =	sadd.s32 $0x10, s24;
	[tilespmem:s25+$0x16780] =	vst v5  }
0xc8: {  	s21 =	rddreg [dreg:$0x10]  }
0xc9: {  	s22 =	simm.s32 $0x1000;
	s23 =	simm.s32 $0x20000;
	s24 =	simm.s32 $0xF500  }
0xca: {  	[hbm4b:s21+s22] =	stream.strided.scatter [tilespmem:s24], [sflag:$0x2], $0x8000, s23, s22, $0x38;
	[tilespmem:$0x17500] =	vst v63  }
0xcb: {  	_ =	swait.ge [sflag:s11], $0x2000  }
0xcc: {  	[sflag:s11] =	ssyncset.done $0x0  }
0xcd: {  	[sflag:s11] =	ssyncadd.s32 $0xFFFFE000  }
0xce: {  	_ =	swait.ge [sflag:s11], $0x2000  }
0xcf: {  	[sflag:s11] =	ssyncset.done $0x0  }
0xd0: {  	s30 =	rddreg [dreg:$0x11];
	[sflag:s11] =	ssyncadd.s32 $0xFFFFE000  }
0xd1: {  	[hbm4b:s30+s12] =	stream.strided.scatter [tilespmem:s5], [sflag:$0x6], $0x2000, s13, s12, $0x38;
	[tilespmem:$0x17500] =	vst v63  }
0xd2: {  	s22 =	rddreg [dreg:$0x12]  }
0xd3: {  	[hbm4b:s22+s12] =	stream.strided.scatter [tilespmem:s6], [sflag:$0x6], $0x2000, s13, s12, $0x38;
	[tilespmem:$0x17500] =	vst v63  }
0xd4: {  	_ =	swait.ge [sflag:s14], $0x2000  }
0xd5: {  	[sflag:s14] =	ssyncset.done $0x0  }
0xd6: {  	[sflag:s14] =	ssyncadd.s32 $0xFFFFE000  }
0xd7: {  	_ =	swait.ge [sflag:s14], $0x2000  }
0xd8: {  	[sflag:s14] =	ssyncset.done $0x0  }
0xd9: {  	s23 =	simm.s32 $0xC0;
	[sflag:s14] =	ssyncadd.s32 $0xFFFFE000  }
0xda: {  	[tilespmem:s5], [sflag:$0x3] =	stream.indirect.gather [hbm4b:s1+s3], $0x80, s23, s3, $0xb8;
	[tilespmem:$0x17500] =	vst v63  }
0xdb: {  	s24 =	simm.s32 $0x2C0  }
0xdc: {  	[tilespmem:s6], [sflag:$0x3] =	stream.indirect.gather [hbm4b:s2+s3], $0x80, s24, s3, $0xb8;
	[tilespmem:$0x17500] =	vst v63  }
0xdd: {  	_ =	swait.ge [sflag:s15], $0x2000  }
0xde: {  	[sflag:s15] =	ssyncset.done $0x0  }
0xdf: {  	[sflag:s15] =	ssyncadd.s32 $0xFFFFE000  }
0xe0: {  	_ =	swait.ge [sflag:s15], $0x2000  }
0xe1: {  	[sflag:s15] =	ssyncset.done $0x0  }
0xe2: {  	s25 =	rddreg [dreg:$0x13];
	[sflag:s15] =	ssyncadd.s32 $0xFFFFE000  }
0xe3: {  	[hbm4b:s25+s12] =	stream.strided.scatter [tilespmem:s7], [sflag:$0x7], $0x2000, s13, s12, $0x38;
	[tilespmem:$0x17500] =	vst v63  }
0xe4: {  	s26 =	rddreg [dreg:$0x14]  }
0xe5: {  	[hbm4b:s26+s12] =	stream.strided.scatter [tilespmem:s8], [sflag:$0x7], $0x2000, s13, s12, $0x38;
	[tilespmem:$0x17500] =	vst v63  }
0xe6: {  	_ =	swait.ge [sflag:s16], $0x2000  }
0xe7: {  	[sflag:s16] =	ssyncset.done $0x0  }
0xe8: {  	[sflag:s16] =	ssyncadd.s32 $0xFFFFE000  }
0xe9: {  	_ =	swait.ge [sflag:s16], $0x2000  }
0xea: {  	[sflag:s16] =	ssyncset.done $0x0  }
0xeb: {  	s30 =	simm.s32 $0x100;
	[sflag:s16] =	ssyncadd.s32 $0xFFFFE000  }
0xec: {  	[tilespmem:s7], [sflag:$0x4] =	stream.indirect.gather [hbm4b:s1+s3], $0x80, s30, s3, $0xb8;
	[tilespmem:$0x17500] =	vst v63  }
0xed: {  	s22 =	simm.s32 $0x300  }
0xee: {  	[tilespmem:s8], [sflag:$0x4] =	stream.indirect.gather [hbm4b:s2+s3], $0x80, s22, s3, $0xb8;
	[tilespmem:$0x17500] =	vst v63  }
0xef: {  	_ =	swait.ge [sflag:s17], $0x2000  }
0xf0: {  	[sflag:s17] =	ssyncset.done $0x0  }
0xf1: {  	[sflag:s17] =	ssyncadd.s32 $0xFFFFE000  }
0xf2: {  	_ =	swait.ge [sflag:s17], $0x2000  }
0xf3: {  	[sflag:s17] =	ssyncset.done $0x0  }
0xf4: {  	s23 =	rddreg [dreg:$0x15];
	[sflag:s17] =	ssyncadd.s32 $0xFFFFE000  }
0xf5: {  	[hbm4b:s23+s12] =	stream.strided.scatter [tilespmem:s9], [sflag:$0x8], $0x2000, s13, s12, $0x38;
	[tilespmem:$0x17500] =	vst v63  }
0xf6: {  	s24 =	rddreg [dreg:$0x16]  }
0xf7: {  	[hbm4b:s24+s12] =	stream.strided.scatter [tilespmem:s10], [sflag:$0x8], $0x2000, s13, s12, $0x38;
	[tilespmem:$0x17500] =	vst v63  }
0xf8: {  	_ =	swait.ge [sflag:s18], $0x2000  }
0xf9: {  	[sflag:s18] =	ssyncset.done $0x0  }
0xfa: {  	[sflag:s18] =	ssyncadd.s32 $0xFFFFE000  }
0xfb: {  	_ =	swait.ge [sflag:s18], $0x2000  }
0xfc: {  	[sflag:s18] =	ssyncset.done $0x0  }
0xfd: {  	s25 =	simm.s32 $0x140;
	[sflag:s18] =	ssyncadd.s32 $0xFFFFE000  }
0xfe: {  	[tilespmem:s9], [sflag:$0x5] =	stream.indirect.gather [hbm4b:s1+s3], $0x80, s25, s3, $0xb8;
	[tilespmem:$0x17500] =	vst v63  }
0xff: {  	s26 =	simm.s32 $0x340  }
0x100: {  	[tilespmem:s10], [sflag:$0x5] =	stream.indirect.gather [hbm4b:s2+s3], $0x80, s26, s3, $0xb8;
	[tilespmem:$0x17500] =	vst v63  }
0x101: {  	_ =	swait.ge [sflag:s11], $0x2000  }
0x102: {  	[sflag:s11] =	ssyncset.done $0x0  }
0x103: {  	[sflag:s11] =	ssyncadd.s32 $0xFFFFE000  }
0x104: {  	_ =	swait.ge [sflag:s11], $0x2000  }
0x105: {  	[sflag:s11] =	ssyncset.done $0x0  }
0x106: {  	s30 =	rddreg [dreg:$0x17];
	[sflag:s11] =	ssyncadd.s32 $0xFFFFE000  }
0x107: {  	[hbm4b:s30+s12] =	stream.strided.scatter [tilespmem:s5], [sflag:$0x6], $0x2000, s13, s12, $0x38;
	[tilespmem:$0x17500] =	vst v63  }
0x108: {  	s22 =	rddreg [dreg:$0x18]  }
0x109: {  	[hbm4b:s22+s12] =	stream.strided.scatter [tilespmem:s6], [sflag:$0x6], $0x2000, s13, s12, $0x38;
	[tilespmem:$0x17500] =	vst v63  }
0x10a: {  	_ =	swait.ge [sflag:s14], $0x2000  }
0x10b: {  	[sflag:s14] =	ssyncset.done $0x0  }
0x10c: {  	[sflag:s14] =	ssyncadd.s32 $0xFFFFE000  }
0x10d: {  	_ =	swait.ge [sflag:s14], $0x2000  }
0x10e: {  	[sflag:s14] =	ssyncset.done $0x0  }
0x10f: {  	s23 =	simm.s32 $0x180;
	[sflag:s14] =	ssyncadd.s32 $0xFFFFE000  }
0x110: {  	[tilespmem:s5], [sflag:$0x3] =	stream.indirect.gather [hbm4b:s1+s3], $0x80, s23, s3, $0xb8;
	[tilespmem:$0x17500] =	vst v63  }
0x111: {  	s24 =	simm.s32 $0x380  }
0x112: {  	[tilespmem:s6], [sflag:$0x3] =	stream.indirect.gather [hbm4b:s2+s3], $0x80, s24, s3, $0xb8;
	[tilespmem:$0x17500] =	vst v63  }
0x113: {  	_ =	swait.ge [sflag:s15], $0x2000  }
0x114: {  	[sflag:s15] =	ssyncset.done $0x0  }
0x115: {  	[sflag:s15] =	ssyncadd.s32 $0xFFFFE000  }
0x116: {  	_ =	swait.ge [sflag:s15], $0x2000  }
0x117: {  	[sflag:s15] =	ssyncset.done $0x0  }
0x118: {  	s25 =	rddreg [dreg:$0x19];
	[sflag:s15] =	ssyncadd.s32 $0xFFFFE000  }
0x119: {  	[hbm4b:s25+s12] =	stream.strided.scatter [tilespmem:s7], [sflag:$0x7], $0x2000, s13, s12, $0x38;
	[tilespmem:$0x17500] =	vst v63  }
0x11a: {  	s26 =	rddreg [dreg:$0x1a]  }
0x11b: {  	[hbm4b:s26+s12] =	stream.strided.scatter [tilespmem:s8], [sflag:$0x7], $0x2000, s13, s12, $0x38;
	[tilespmem:$0x17500] =	vst v63  }
0x11c: {  	_ =	swait.ge [sflag:s16], $0x2000  }
0x11d: {  	[sflag:s16] =	ssyncset.done $0x0  }
0x11e: {  	[sflag:s16] =	ssyncadd.s32 $0xFFFFE000  }
0x11f: {  	_ =	swait.ge [sflag:s16], $0x2000  }
0x120: {  	[sflag:s16] =	ssyncset.done $0x0  }
0x121: {  	s30 =	simm.s32 $0x1C0;
	[sflag:s16] =	ssyncadd.s32 $0xFFFFE000  }
0x122: {  	[tilespmem:s7], [sflag:$0x4] =	stream.indirect.gather [hbm4b:s1+s3], $0x80, s30, s3, $0xb8;
	[tilespmem:$0x17500] =	vst v63  }
0x123: {  	s22 =	simm.s32 $0x3C0  }
0x124: {  	[tilespmem:s8], [sflag:$0x4] =	stream.indirect.gather [hbm4b:s2+s3], $0x80, s22, s3, $0xb8;
	[tilespmem:$0x17500] =	vst v63  }
0x125: {  	_ =	swait.ge [sflag:s17], $0x2000  }
0x126: {  	[sflag:s17] =	ssyncset.done $0x0  }
0x127: {  	[sflag:s17] =	ssyncadd.s32 $0xFFFFE000  }
0x128: {  	_ =	swait.ge [sflag:s17], $0x2000  }
0x129: {  	[sflag:s17] =	ssyncset.done $0x0  }
0x12a: {  	s23 =	rddreg [dreg:$0x1b];
	[sflag:s17] =	ssyncadd.s32 $0xFFFFE000  }
0x12b: {  	[hbm4b:s23+s12] =	stream.strided.scatter [tilespmem:s9], [sflag:$0x8], $0x2000, s13, s12, $0x38;
	[tilespmem:$0x17500] =	vst v63  }
0x12c: {  	s24 =	rddreg [dreg:$0x1c]  }
0x12d: {  	[hbm4b:s24+s12] =	stream.strided.scatter [tilespmem:s10], [sflag:$0x8], $0x2000, s13, s12, $0x38;
	[tilespmem:$0x17500] =	vst v63  }
0x12e: {  	_ =	swait.ge [sflag:s11], $0x2000  }
0x12f: {  	[sflag:s11] =	ssyncset.done $0x0  }
0x130: {  	[sflag:s11] =	ssyncadd.s32 $0xFFFFE000  }
0x131: {  	_ =	swait.ge [sflag:s11], $0x2000  }
0x132: {  	[sflag:s11] =	ssyncset.done $0x0  }
0x133: {  	s25 =	rddreg [dreg:$0x1d];
	[sflag:s11] =	ssyncadd.s32 $0xFFFFE000  }
0x134: {  	[hbm4b:s25+s12] =	stream.strided.scatter [tilespmem:s5], [sflag:$0x6], $0x2000, s13, s12, $0x38;
	[tilespmem:$0x17500] =	vst v63  }
0x135: {  	s26 =	rddreg [dreg:$0x1e]  }
0x136: {  	[hbm4b:s26+s12] =	stream.strided.scatter [tilespmem:s6], [sflag:$0x6], $0x2000, s13, s12, $0x38;
	[tilespmem:$0x17500] =	vst v63  }
0x137: {  	_ =	swait.ge [sflag:s15], $0x2000  }
0x138: {  	[sflag:s15] =	ssyncset.done $0x0  }
0x139: {  	[sflag:s15] =	ssyncadd.s32 $0xFFFFE000  }
0x13a: {  	_ =	swait.ge [sflag:s15], $0x2000  }
0x13b: {  	[sflag:s15] =	ssyncset.done $0x0  }
0x13c: {  	s30 =	rddreg [dreg:$0x1f];
	[sflag:s15] =	ssyncadd.s32 $0xFFFFE000  }
0x13d: {  	[hbm4b:s30+s12] =	stream.strided.scatter [tilespmem:s7], [sflag:$0x7], $0x2000, s13, s12, $0x38;
	[tilespmem:$0x17500] =	vst v63  }
0x13e: {  	_ = 	snop  }
0x13f: {  	[hbm4b:s28+s12] =	stream.strided.scatter [tilespmem:s8], [sflag:$0x7], $0x2000, s13, s12, $0x38;
	[tilespmem:$0x17500] =	vst v63  }
0x140: {  	_ =	swait.ge [sflag:s18], $0x2000  }
0x141: {  	[sflag:s18] =	ssyncset.done $0x0  }
0x142: {  	[sflag:s18] =	ssyncadd.s32 $0xFFFFE000  }
0x143: {  	_ =	swait.ge [sflag:s18], $0x2000  }
0x144: {  	[sflag:s18] =	ssyncset.done $0x0  }
0x145: {  	[sflag:s18] =	ssyncadd.s32 $0xFFFFE000  }
0x146: {  	_ =	swait.ge [sflag:s14], $0x2000  }
0x147: {  	[sflag:s14] =	ssyncset.done $0x0  }
0x148: {  	[sflag:s14] =	ssyncadd.s32 $0xFFFFE000  }
0x149: {  	_ =	swait.ge [sflag:s14], $0x2000  }
0x14a: {  	[sflag:s14] =	ssyncset.done $0x0  }
0x14b: {  	[sflag:s14] =	ssyncadd.s32 $0xFFFFE000  }
0x14c: {  	_ =	swait.ge [sflag:s16], $0x2000  }
0x14d: {  	[sflag:s16] =	ssyncset.done $0x0  }
0x14e: {  	s20 =	sadd.s32 $0x1, s20;
	[sflag:s16] =	ssyncadd.s32 $0xFFFFE000  }
0x14f: {  	p0 =	sne.s32 s20, s29;
	_ =	swait.ge [sflag:s16], $0x2000  }
.Ltmp1:
0x150: {  	[sflag:s16] =	ssyncset.done $0x0;
	(pc) =	sbr.rel @p0 .LBB2_1-.Ltmp1, $4  }
0x151: {  	[sflag:s16] =	ssyncadd.s32 $0xFFFFE000  }
0x152: {  	_ =	swait.ge [sflag:s19], $0x8000  }
0x153: {  	[sflag:s19] =	ssyncset.done $0x0  }
0x154: {  	[sflag:s19] =	ssyncadd.s32 $0xFFFF8000  }
0x155: {  	_ =	sfence.sel $0x180000  }
0x156: {  	[bflag:$0x0] =	sbarrier.arrive $0xFFFF  }
0x157: {  	_ =	strace $0x90000047  }
0x158: {  	s0 =	stileid.u32;
	[bflag:$0x2] =	sbarrier.arrive $0xFFFF  }
0x159: {  	p0 =	sne.s32 s0, $0x0;
	s0 =	rddreg [dreg:$0x9]  }
0x15a: {  	s0 =	sadd.s32 @!p0 $0x100000, s0  }
0x15b: {  	[sflag:s0] =	ssyncadd.tile.s32 @!p0 $0x1;
	_ =	shalt  }
.Lfunc_end2:
_tile_overlayer_lowered:
.L_overlay_start_2:
0x15c: {  	(tag) =	ssettag $0x2  }
0x15d: {  	s0 =	rddreg [dreg:$0x0];
	s2 =	stileid.u32  }
0x15e: {  	s1 =	rddreg [dreg:$0x1];
	p0 =	sne.s32 s2, $0x0  }
0x15f: {  	s3 =	rddreg [dreg:$0x2];
	[bflag:$0x3] =	sbarrier.arrive $0xFFFF;
	s2 =	simm.s32 @!p0 $0x1C09  }
0x160: {  	[timem:s3], [sflag:s2] =	dma.local @!p0 [hbm:s0], s1  }
0x161: {  	s0 =	simm.s32 @!p0 $0x9  }
0x162: {  	_ =	swait.ge @!p0 [sflag:s0], s1  }
0x163: {  	s1 =	ssub.s32 @!p0 $0x0, s1;
	[sflag:s0] =	ssyncset.done @!p0 $0x0  }
0x164: {  	[sflag:s0] =	ssyncadd.s32 @!p0 s1  }
0x165: {  	[bflag:$0x3] =	sbarrier.arrive $0xFFFF  }
0x166: {  	_ =	shalt  }

</sc_bundles>
